<compile_context>
chip_gen: v7x
topology: tpu7x:2x2x1
jax: 0.10.2.dev20260603
libtpu: 0.0.44.dev20260713+nightly
codegen_flags: <defaults>
</compile_context>

<pallas_src>
import functools

import jax
import jax.numpy as jnp
import numpy as np
from jax import lax
from jax.experimental import pallas as pl
from jax.experimental.pallas import tpu as pltpu
from jax.experimental.pallas import tpu_sc as plsc

_B, _N, _S = 4, 8192, 2048
_D1, _D2 = 64, 128
_C0, _C1 = 256, 128
_TN = 512
_NT = _N // _TN
_TNK = 512
_NTK = _N // _TNK
_BN = _B * _N
_CNT = float(_BN)
_ROWS = 3 * _BN
_NW = 32
_RPW = _ROWS // _NW
_CH = 512
_NCH = _RPW // _CH


def _knn_body(x1_ref, x2_ref, w_ref, idx_ref):
    b = pl.program_id(0)
    x1 = x1_ref[0]
    x2 = x2_ref[0]
    x1sq = jnp.sum(x1 * x1, axis=1, keepdims=True)
    x2sq = ((x2[0:1] * x2[0:1] + x2[1:2] * x2[1:2])
            + x2[2:3] * x2[2:3])
    cross = lax.dot_general(x1.astype(jnp.bfloat16), x2.astype(jnp.bfloat16),
                            (((1,), (0,)), ((), ())),
                            preferred_element_type=jnp.float32)
    d = (x1sq - 2.0 * cross) + x2sq
    dbits = lax.bitcast_convert_type(d, jnp.int32)
    intmax = jnp.int32(0x7FFFFFFF)
    m1 = jnp.full((_TNK, 128), intmax, jnp.int32)
    m2 = m1
    m3 = m1
    for c in range(_S // 128):
        x = lax.bitwise_or(
            lax.bitwise_and(dbits[:, c * 128:(c + 1) * 128],
                            jnp.int32(-16)), jnp.int32(c))
        hi1 = jnp.maximum(m1, x)
        m1 = jnp.minimum(m1, x)
        hi2 = jnp.maximum(m2, hi1)
        m2 = jnp.minimum(m2, hi1)
        m3 = jnp.minimum(m3, hi2)
    cand = jnp.concatenate([m1, m2, m3], axis=1)
    workf = lax.bitcast_convert_type(cand, jnp.float32)
    iotaf = lax.broadcasted_iota(jnp.int32, (_TNK, 384), 1).astype(jnp.float32)
    bigf = jnp.float32(3.0e38)
    dks, iks = [], []
    for _ in range(3):
        mn = jnp.min(workf, axis=1, keepdims=True)
        posf = jnp.min(jnp.where(workf == mn, iotaf, bigf),
                       axis=1, keepdims=True)
        workf = jnp.where(iotaf == posf, bigf, workf)
        mni = lax.bitcast_convert_type(mn, jnp.int32)
        pos = posf.astype(jnp.int32)
        dks.append(lax.bitwise_and(mni, jnp.int32(-16)))
        iks.append(lax.bitwise_and(mni, jnp.int32(15)) * 128
                   + lax.bitwise_and(pos, jnp.int32(127)))
    i3 = jnp.concatenate(iks, axis=1)
    d3 = lax.bitcast_convert_type(jnp.concatenate(dks, axis=1),
                                  jnp.float32)
    recip = 1.0 / (d3 + 1e-8)
    w_ref[0] = recip / jnp.sum(recip, axis=1, keepdims=True)
    idx_ref[0] = i3 + b * _S


def _mlp1_body(p1_ref, g_ref, w_ref, w0a_ref, w0b_ref, b0_ref, h1_ref, st_ref):
    w = w_ref[0]
    interp = (g_ref[0] * w[:, 0:1]
              + g_ref[1] * w[:, 1:2]
              + g_ref[2] * w[:, 2:3])
    h = lax.dot_general(w0a_ref[...], p1_ref[0], (((1,), (0,)), ((), ())),
                        preferred_element_type=jnp.float32)
    h = h + lax.dot_general(w0b_ref[...], interp, (((1,), (1,)), ((), ())),
                            preferred_element_type=jnp.float32)
    h = h + b0_ref[...]
    h1_ref[0] = h

    @pl.when((pl.program_id(0) == 0) & (pl.program_id(1) == 0))
    def _():
        st_ref[...] = jnp.zeros_like(st_ref)

    st_ref[:, 0:1] += jnp.sum(h, axis=1, keepdims=True)
    st_ref[:, 1:2] += jnp.sum(h * h, axis=1, keepdims=True)


def _mlp2_body(h1_ref, st1_ref, w1_ref, b1_ref, g0_ref, be0_ref, h2_ref, st_ref):
    mean = st1_ref[:, 0:1] / _CNT
    var = st1_ref[:, 1:2] / _CNT - mean * mean
    scale = g0_ref[...] * lax.rsqrt(var + 1e-5)
    y = jnp.maximum((h1_ref[0] - mean) * scale + be0_ref[...], 0.0)
    h = lax.dot_general(w1_ref[...], y, (((1,), (0,)), ((), ())),
                        preferred_element_type=jnp.float32) + b1_ref[...]
    h2_ref[0] = h

    @pl.when((pl.program_id(0) == 0) & (pl.program_id(1) == 0))
    def _():
        st_ref[...] = jnp.zeros_like(st_ref)

    st_ref[:, 0:1] += jnp.sum(h, axis=1, keepdims=True)
    st_ref[:, 1:2] += jnp.sum(h * h, axis=1, keepdims=True)


def _bn2_body(h2_ref, st2_ref, g1_ref, be1_ref, out_ref):
    mean = st2_ref[:, 0:1] / _CNT
    var = st2_ref[:, 1:2] / _CNT - mean * mean
    scale = g1_ref[...] * lax.rsqrt(var + 1e-5)
    out_ref[0] = jnp.maximum((h2_ref[0] - mean) * scale + be1_ref[...], 0.0)


def _sc_gather(fidx, table):
    mesh = plsc.VectorSubcoreMesh(core_axis_name="c", subcore_axis_name="s")

    @functools.partial(
        pl.kernel,
        mesh=mesh,
        out_type=jax.ShapeDtypeStruct((_ROWS, _D2), jnp.float32),
        scratch_types=[
            pltpu.VMEM((_CH,), jnp.int32),
            pltpu.VMEM((_CH, _D2), jnp.float32),
            pltpu.SemaphoreType.DMA,
        ],
    )
    def gather_k(fidx_hbm, table_hbm, out_hbm, idx_v, rows_v, sem):
        wid = lax.axis_index("s") * 2 + lax.axis_index("c")
        base = wid * _RPW
        for j in range(_NCH):
            off = base + j * _CH
            pltpu.sync_copy(fidx_hbm.at[pl.ds(off, _CH)], idx_v)
            pltpu.async_copy(table_hbm.at[idx_v], rows_v, sem).wait()
            pltpu.sync_copy(rows_v, out_hbm.at[pl.ds(off, _CH)])

    return gather_k(fidx, table)


def kernel(xyz1, xyz2, points1, points2, W0, b0, gamma0, beta0, W1, b1,
           gamma1, beta1):
    x1t = jnp.transpose(xyz1, (0, 2, 1))

    w3, gidx = pl.pallas_call(
        _knn_body,
        grid=(_B, _NTK),
        in_specs=[
            pl.BlockSpec((1, _TNK, 3), lambda b, j: (b, j, 0)),
            pl.BlockSpec((1, 3, _S), lambda b, j: (b, 0, 0)),
        ],
        out_specs=[
            pl.BlockSpec((1, _TNK, 3), lambda b, j: (b, j, 0)),
            pl.BlockSpec((1, _TNK, 3), lambda b, j: (b, j, 0)),
        ],
        out_shape=[
            jax.ShapeDtypeStruct((_B, _N, 3), jnp.float32),
            jax.ShapeDtypeStruct((_B, _N, 3), jnp.int32),
        ],
        compiler_params=pltpu.CompilerParams(
            dimension_semantics=("arbitrary", "arbitrary")),
    )(x1t, xyz2)

    fidx = jnp.transpose(gidx, (2, 0, 1)).reshape(_ROWS)
    p2t = jnp.transpose(points2, (0, 2, 1)).reshape(_B * _S, _D2)
    g = _sc_gather(fidx, p2t).reshape(3, _BN, _D2)

    h1, st1 = pl.pallas_call(
        _mlp1_body,
        grid=(_B, _NT),
        in_specs=[
            pl.BlockSpec((1, _D1, _TN), lambda b, j: (b, 0, j)),
            pl.BlockSpec((3, _TN, _D2), lambda b, j: (0, b * _NT + j, 0)),
            pl.BlockSpec((1, _TN, 3), lambda b, j: (b, j, 0)),
            pl.BlockSpec((_C0, _D1), lambda b, j: (0, 0)),
            pl.BlockSpec((_C0, _D2), lambda b, j: (0, 0)),
            pl.BlockSpec((_C0, 1), lambda b, j: (0, 0)),
        ],
        out_specs=[
            pl.BlockSpec((1, _C0, _TN), lambda b, j: (b, 0, j)),
            pl.BlockSpec((_C0, 2), lambda b, j: (0, 0)),
        ],
        out_shape=[
            jax.ShapeDtypeStruct((_B, _C0, _N), jnp.float32),
            jax.ShapeDtypeStruct((_C0, 2), jnp.float32),
        ],
        compiler_params=pltpu.CompilerParams(
            dimension_semantics=("arbitrary", "arbitrary")),
    )(points1, g, w3, W0[:, :_D1], W0[:, _D1:], b0[:, None])

    h2, st2 = pl.pallas_call(
        _mlp2_body,
        grid=(_B, _NT),
        in_specs=[
            pl.BlockSpec((1, _C0, _TN), lambda b, j: (b, 0, j)),
            pl.BlockSpec((_C0, 2), lambda b, j: (0, 0)),
            pl.BlockSpec((_C1, _C0), lambda b, j: (0, 0)),
            pl.BlockSpec((_C1, 1), lambda b, j: (0, 0)),
            pl.BlockSpec((_C0, 1), lambda b, j: (0, 0)),
            pl.BlockSpec((_C0, 1), lambda b, j: (0, 0)),
        ],
        out_specs=[
            pl.BlockSpec((1, _C1, _TN), lambda b, j: (b, 0, j)),
            pl.BlockSpec((_C1, 2), lambda b, j: (0, 0)),
        ],
        out_shape=[
            jax.ShapeDtypeStruct((_B, _C1, _N), jnp.float32),
            jax.ShapeDtypeStruct((_C1, 2), jnp.float32),
        ],
        compiler_params=pltpu.CompilerParams(
            dimension_semantics=("arbitrary", "arbitrary")),
    )(h1, st1, W1, b1[:, None], gamma0[:, None], beta0[:, None])

    out = pl.pallas_call(
        _bn2_body,
        grid=(_B, _NT),
        in_specs=[
            pl.BlockSpec((1, _C1, _TN), lambda b, j: (b, 0, j)),
            pl.BlockSpec((_C1, 2), lambda b, j: (0, 0)),
            pl.BlockSpec((_C1, 1), lambda b, j: (0, 0)),
            pl.BlockSpec((_C1, 1), lambda b, j: (0, 0)),
        ],
        out_specs=pl.BlockSpec((1, _C1, _TN), lambda b, j: (b, 0, j)),
        out_shape=jax.ShapeDtypeStruct((_B, _C1, _N), jnp.float32),
        compiler_params=pltpu.CompilerParams(
            dimension_semantics=("arbitrary", "arbitrary")),
    )(h2, st2, gamma1[:, None], beta1[:, None])

    return out

# --- scband reference (transcript-rebuilt; emitter-appended) ---
"""Pipeline reference for scband-point-net-feature-propagation1-81295140979492 (READ-ONLY COPY).

The authoritative reference and input builder live on the scoring server;
editing this copy changes nothing except your own understanding.
"""

import jax, jax.numpy as jnp
import numpy as np

B, N, S = 4, 8192, 2048
D1, D2 = 64, 128
C0, C1 = 256, 128
IN_CH = D1 + D2


def setup_inputs(seed: int = 0):
    key = jax.random.key(seed)
    ks = jax.random.split(key, 8)
    inp = {}
    inp["xyz1"] = jax.random.normal(ks[0], (B, 3, N), dtype=jnp.float32)
    inp["xyz2"] = jax.random.normal(ks[1], (B, 3, S), dtype=jnp.float32)
    inp["points1"] = jax.random.normal(ks[2], (B, D1, N), dtype=jnp.float32)
    inp["points2"] = jax.random.normal(ks[3], (B, D2, S), dtype=jnp.float32)
    inp["W0"] = jax.random.normal(ks[4], (C0, IN_CH), dtype=jnp.float32) * (1.0 / np.sqrt(IN_CH))
    inp["b0"] = jnp.zeros((C0,), dtype=jnp.float32)
    inp["gamma0"] = jnp.ones((C0,), dtype=jnp.float32)
    inp["beta0"] = jnp.zeros((C0,), dtype=jnp.float32)
    inp["W1"] = jax.random.normal(ks[5], (C1, C0), dtype=jnp.float32) * (1.0 / np.sqrt(C0))
    inp["b1"] = jnp.zeros((C1,), dtype=jnp.float32)
    inp["gamma1"] = jnp.ones((C1,), dtype=jnp.float32)
    inp["beta1"] = jnp.zeros((C1,), dtype=jnp.float32)
    return inp


def _bn_relu(h, gamma, beta, eps=1e-5):
    # training-mode BatchNorm1d over (B, N) per channel
    mean = jnp.mean(h, axis=(0, 2), keepdims=True)
    var = jnp.var(h, axis=(0, 2), keepdims=True)
    hn = (h - mean) / jnp.sqrt(var + eps)
    return jax.nn.relu(hn * gamma[None, :, None] + beta[None, :, None])


def _propagate(xyz1, xyz2, points1, points2):
    # PointNet++ feature propagation: 3-NN inverse-distance interpolation
    x1 = jnp.transpose(xyz1, (0, 2, 1))  # [B, N, 3]
    x2 = jnp.transpose(xyz2, (0, 2, 1))  # [B, S, 3]
    p2 = jnp.transpose(points2, (0, 2, 1))  # [B, S, D2]
    d = (jnp.sum(x1 * x1, axis=-1, keepdims=True)
         - 2.0 * jnp.einsum('bnc,bsc->bns', x1, x2)
         + jnp.sum(x2 * x2, axis=-1)[:, None, :])  # [B, N, S] squared dists
    neg_d, idx = jax.lax.top_k(-d, 3)  # 3 nearest neighbors
    dists = -neg_d
    dist_recip = 1.0 / (dists + 1e-8)
    norm = jnp.sum(dist_recip, axis=-1, keepdims=True)
    weight = dist_recip / norm  # [B, N, 3]
    gathered = jax.vmap(lambda pts, ix: pts[ix])(p2, idx)  # [B, N, 3, D2]
    interpolated = jnp.sum(gathered * weight[..., None], axis=2)  # [B, N, D2]
    p1 = jnp.transpose(points1, (0, 2, 1))  # [B, N, D1]
    new_points = jnp.concatenate([p1, interpolated], axis=-1)  # [B, N, D1+D2]
    return jnp.transpose(new_points, (0, 2, 1))  # [B, D1+D2, N]


def reference(xyz1, xyz2, points1, points2, W0, b0, gamma0, beta0, W1, b1, gamma1, beta1):
    x = _propagate(xyz1, xyz2, points1, points2)
    # Conv1d with kernel 1 == per-position matmul
    h = jnp.einsum('oc,bcn->bon', W0, x) + b0[None, :, None]
    h = _bn_relu(h, gamma0, beta0)
    h = jnp.einsum('oc,bcn->bon', W1, h) + b1[None, :, None]
    h = _bn_relu(h, gamma1, beta1)
    return h

if __name__ == "__main__":
    import jax
    _d = setup_inputs()
    print(jax.jit(kernel)(*tuple(_d.values())))

</pallas_src>

<mosaic_0001>
#map = affine_map<(d0, d1) -> (0)>
#map1 = affine_map<(d0, d1) -> (0, 0)>
module attributes {stable_mosaic.version = 14 : i64} {
  func.func @gather_k(%arg0: i32, %arg1: i32, %arg2: memref<98304xi32, #tpu.memory_space<hbm>>, %arg3: memref<8192x128xf32, #tpu.memory_space<hbm>>, %arg4: memref<98304x128xf32, #tpu.memory_space<hbm>>, %arg5: memref<512xi32, #tpu.memory_space<vmem>>, %arg6: memref<512x128xf32, #tpu.memory_space<vmem>>, %arg7: memref<!tpu.dma_semaphore, #tpu.memory_space<semaphore_mem>>) attributes {dimension_semantics = [#tpu.dimension_semantics<core_parallel>, #tpu.dimension_semantics<subcore_parallel>], iteration_bounds = array<i64: 2, 16>, scalar_prefetch = 0 : i64, scratch_operands = 3 : i64, tpu.core_type = #tpu.core_type<sc_vector_subcore>, window_params = [{transform_indices = #map}, {transform_indices = #map1}, {transform_indices = #map1}]} {
    %mul3A = arith.constant 2 : i32
    %mul3A_0 = arith.muli %arg1, %mul3A : i32
    %add3A = arith.addi %mul3A_0, %arg0 : i32
    %mul3A_1 = arith.constant 3072 : i32
    %mul3A_2 = arith.muli %add3A, %mul3A_1 : i32
    %add3A_3 = arith.constant 0 : i32
    %add3A_4 = arith.addi %mul3A_2, %add3A_3 : i32
    "tpu.region"() ({
      %run_scoped3A = tpu.sem_alloc : memref<!tpu.dma_semaphore, #tpu.memory_space<semaphore_mem>>
      %dma_start3A_49 = tpu.memref_slice %arg2[%add3A_4] : memref<98304xi32, #tpu.memory_space<hbm>> -> memref<512xi32, #tpu.memory_space<hbm>>
      %dma_start3A_50 = tpu.memref_slice %arg2[%add3A_4] : memref<98304xi32, #tpu.memory_space<hbm>> -> memref<512xi32, #tpu.memory_space<hbm>>
      tpu.enqueue_dma source(%dma_start3A_50 : memref<512xi32, #tpu.memory_space<hbm>>) target(%arg5 : memref<512xi32, #tpu.memory_space<vmem>>) target_semaphore(%run_scoped3A : memref<!tpu.dma_semaphore, #tpu.memory_space<semaphore_mem>>)
      %dma_wait3A_51 = tpu.memref_slice %arg2[%add3A_4] : memref<98304xi32, #tpu.memory_space<hbm>> -> memref<512xi32, #tpu.memory_space<hbm>>
      %dma_wait3A_52 = tpu.memref_slice %arg2[%add3A_4] : memref<98304xi32, #tpu.memory_space<hbm>> -> memref<512xi32, #tpu.memory_space<hbm>>
      tpu.wait_dma2 semaphore(%run_scoped3A : memref<!tpu.dma_semaphore, #tpu.memory_space<semaphore_mem>>) src(%dma_wait3A_52 : memref<512xi32, #tpu.memory_space<hbm>>) dst(%arg5 : memref<512xi32, #tpu.memory_space<vmem>>)
      tpu.yield
    }) : () -> ()
    %dma_start3A = arith.constant 0 : i32
    %dma_start3A_5 = arith.constant 0 : i32
    %dma_start3A_6 = tpu.memref_slice %arg3[%dma_start3A, %dma_start3A_5] : memref<8192x128xf32, #tpu.memory_space<hbm>> -> memref<8192x128xf32, #tpu.memory_space<hbm>>
    tpu.enqueue_indirect_dma source(%dma_start3A_6 : memref<8192x128xf32, #tpu.memory_space<hbm>>) target(%arg6 : memref<512x128xf32, #tpu.memory_space<vmem>>) offsets(%arg5 : memref<512xi32, #tpu.memory_space<vmem>>) semaphore(%arg7 : memref<!tpu.dma_semaphore, #tpu.memory_space<semaphore_mem>>)
    %dma_wait3A = arith.constant 0 : i32
    %dma_wait3A_7 = arith.constant 0 : i32
    %dma_wait3A_8 = tpu.memref_slice %arg3[%dma_wait3A, %dma_wait3A_7] : memref<8192x128xf32, #tpu.memory_space<hbm>> -> memref<8192x128xf32, #tpu.memory_space<hbm>>
    tpu.wait_indirect_dma semaphore(%arg7 : memref<!tpu.dma_semaphore, #tpu.memory_space<semaphore_mem>>) src(%dma_wait3A_8 : memref<8192x128xf32, #tpu.memory_space<hbm>>) dst(%arg6 : memref<512x128xf32, #tpu.memory_space<vmem>>)
    "tpu.region"() ({
      %run_scoped3A = tpu.sem_alloc : memref<!tpu.dma_semaphore, #tpu.memory_space<semaphore_mem>>
      %dma_start3A_49 = arith.constant 0 : i32
      %dma_start3A_50 = tpu.memref_slice %arg4[%add3A_4, %dma_start3A_49] : memref<98304x128xf32, #tpu.memory_space<hbm>> -> memref<512x128xf32, #tpu.memory_space<hbm>>
      %dma_start3A_51 = arith.constant 0 : i32
      %dma_start3A_52 = tpu.memref_slice %arg4[%add3A_4, %dma_start3A_51] : memref<98304x128xf32, #tpu.memory_space<hbm>> -> memref<512x128xf32, #tpu.memory_space<hbm>>
      tpu.enqueue_dma source(%arg6 : memref<512x128xf32, #tpu.memory_space<vmem>>) target(%dma_start3A_52 : memref<512x128xf32, #tpu.memory_space<hbm>>) target_semaphore(%run_scoped3A : memref<!tpu.dma_semaphore, #tpu.memory_space<semaphore_mem>>)
      %dma_wait3A_53 = arith.constant 0 : i32
      %dma_wait3A_54 = tpu.memref_slice %arg4[%add3A_4, %dma_wait3A_53] : memref<98304x128xf32, #tpu.memory_space<hbm>> -> memref<512x128xf32, #tpu.memory_space<hbm>>
      %dma_wait3A_55 = arith.constant 0 : i32
      %dma_wait3A_56 = tpu.memref_slice %arg4[%add3A_4, %dma_wait3A_55] : memref<98304x128xf32, #tpu.memory_space<hbm>> -> memref<512x128xf32, #tpu.memory_space<hbm>>
      tpu.wait_dma2 semaphore(%run_scoped3A : memref<!tpu.dma_semaphore, #tpu.memory_space<semaphore_mem>>) src(%arg6 : memref<512x128xf32, #tpu.memory_space<vmem>>) dst(%dma_wait3A_56 : memref<512x128xf32, #tpu.memory_space<hbm>>)
      tpu.yield
    }) : () -> ()
    %add3A_9 = arith.constant 512 : i32
    %add3A_10 = arith.addi %mul3A_2, %add3A_9 : i32
    "tpu.region"() ({
      %run_scoped3A = tpu.sem_alloc : memref<!tpu.dma_semaphore, #tpu.memory_space<semaphore_mem>>
      %dma_start3A_49 = tpu.memref_slice %arg2[%add3A_10] : memref<98304xi32, #tpu.memory_space<hbm>> -> memref<512xi32, #tpu.memory_space<hbm>>
      %dma_start3A_50 = tpu.memref_slice %arg2[%add3A_10] : memref<98304xi32, #tpu.memory_space<hbm>> -> memref<512xi32, #tpu.memory_space<hbm>>
      tpu.enqueue_dma source(%dma_start3A_50 : memref<512xi32, #tpu.memory_space<hbm>>) target(%arg5 : memref<512xi32, #tpu.memory_space<vmem>>) target_semaphore(%run_scoped3A : memref<!tpu.dma_semaphore, #tpu.memory_space<semaphore_mem>>)
      %dma_wait3A_51 = tpu.memref_slice %arg2[%add3A_10] : memref<98304xi32, #tpu.memory_space<hbm>> -> memref<512xi32, #tpu.memory_space<hbm>>
      %dma_wait3A_52 = tpu.memref_slice %arg2[%add3A_10] : memref<98304xi32, #tpu.memory_space<hbm>> -> memref<512xi32, #tpu.memory_space<hbm>>
      tpu.wait_dma2 semaphore(%run_scoped3A : memref<!tpu.dma_semaphore, #tpu.memory_space<semaphore_mem>>) src(%dma_wait3A_52 : memref<512xi32, #tpu.memory_space<hbm>>) dst(%arg5 : memref<512xi32, #tpu.memory_space<vmem>>)
      tpu.yield
    }) : () -> ()
    %dma_start3A_11 = arith.constant 0 : i32
    %dma_start3A_12 = arith.constant 0 : i32
    %dma_start3A_13 = tpu.memref_slice %arg3[%dma_start3A_11, %dma_start3A_12] : memref<8192x128xf32, #tpu.memory_space<hbm>> -> memref<8192x128xf32, #tpu.memory_space<hbm>>
    tpu.enqueue_indirect_dma source(%dma_start3A_13 : memref<8192x128xf32, #tpu.memory_space<hbm>>) target(%arg6 : memref<512x128xf32, #tpu.memory_space<vmem>>) offsets(%arg5 : memref<512xi32, #tpu.memory_space<vmem>>) semaphore(%arg7 : memref<!tpu.dma_semaphore, #tpu.memory_space<semaphore_mem>>)
    %dma_wait3A_14 = arith.constant 0 : i32
    %dma_wait3A_15 = arith.constant 0 : i32
    %dma_wait3A_16 = tpu.memref_slice %arg3[%dma_wait3A_14, %dma_wait3A_15] : memref<8192x128xf32, #tpu.memory_space<hbm>> -> memref<8192x128xf32, #tpu.memory_space<hbm>>
    tpu.wait_indirect_dma semaphore(%arg7 : memref<!tpu.dma_semaphore, #tpu.memory_space<semaphore_mem>>) src(%dma_wait3A_16 : memref<8192x128xf32, #tpu.memory_space<hbm>>) dst(%arg6 : memref<512x128xf32, #tpu.memory_space<vmem>>)
    "tpu.region"() ({
      %run_scoped3A = tpu.sem_alloc : memref<!tpu.dma_semaphore, #tpu.memory_space<semaphore_mem>>
      %dma_start3A_49 = arith.constant 0 : i32
      %dma_start3A_50 = tpu.memref_slice %arg4[%add3A_10, %dma_start3A_49] : memref<98304x128xf32, #tpu.memory_space<hbm>> -> memref<512x128xf32, #tpu.memory_space<hbm>>
      %dma_start3A_51 = arith.constant 0 : i32
      %dma_start3A_52 = tpu.memref_slice %arg4[%add3A_10, %dma_start3A_51] : memref<98304x128xf32, #tpu.memory_space<hbm>> -> memref<512x128xf32, #tpu.memory_space<hbm>>
      tpu.enqueue_dma source(%arg6 : memref<512x128xf32, #tpu.memory_space<vmem>>) target(%dma_start3A_52 : memref<512x128xf32, #tpu.memory_space<hbm>>) target_semaphore(%run_scoped3A : memref<!tpu.dma_semaphore, #tpu.memory_space<semaphore_mem>>)
      %dma_wait3A_53 = arith.constant 0 : i32
      %dma_wait3A_54 = tpu.memref_slice %arg4[%add3A_10, %dma_wait3A_53] : memref<98304x128xf32, #tpu.memory_space<hbm>> -> memref<512x128xf32, #tpu.memory_space<hbm>>
      %dma_wait3A_55 = arith.constant 0 : i32
      %dma_wait3A_56 = tpu.memref_slice %arg4[%add3A_10, %dma_wait3A_55] : memref<98304x128xf32, #tpu.memory_space<hbm>> -> memref<512x128xf32, #tpu.memory_space<hbm>>
      tpu.wait_dma2 semaphore(%run_scoped3A : memref<!tpu.dma_semaphore, #tpu.memory_space<semaphore_mem>>) src(%arg6 : memref<512x128xf32, #tpu.memory_space<vmem>>) dst(%dma_wait3A_56 : memref<512x128xf32, #tpu.memory_space<hbm>>)
      tpu.yield
    }) : () -> ()
    %add3A_17 = arith.constant 1024 : i32
    %add3A_18 = arith.addi %mul3A_2, %add3A_17 : i32
    "tpu.region"() ({
      %run_scoped3A = tpu.sem_alloc : memref<!tpu.dma_semaphore, #tpu.memory_space<semaphore_mem>>
      %dma_start3A_49 = tpu.memref_slice %arg2[%add3A_18] : memref<98304xi32, #tpu.memory_space<hbm>> -> memref<512xi32, #tpu.memory_space<hbm>>
      %dma_start3A_50 = tpu.memref_slice %arg2[%add3A_18] : memref<98304xi32, #tpu.memory_space<hbm>> -> memref<512xi32, #tpu.memory_space<hbm>>
      tpu.enqueue_dma source(%dma_start3A_50 : memref<512xi32, #tpu.memory_space<hbm>>) target(%arg5 : memref<512xi32, #tpu.memory_space<vmem>>) target_semaphore(%run_scoped3A : memref<!tpu.dma_semaphore, #tpu.memory_space<semaphore_mem>>)
      %dma_wait3A_51 = tpu.memref_slice %arg2[%add3A_18] : memref<98304xi32, #tpu.memory_space<hbm>> -> memref<512xi32, #tpu.memory_space<hbm>>
      %dma_wait3A_52 = tpu.memref_slice %arg2[%add3A_18] : memref<98304xi32, #tpu.memory_space<hbm>> -> memref<512xi32, #tpu.memory_space<hbm>>
      tpu.wait_dma2 semaphore(%run_scoped3A : memref<!tpu.dma_semaphore, #tpu.memory_space<semaphore_mem>>) src(%dma_wait3A_52 : memref<512xi32, #tpu.memory_space<hbm>>) dst(%arg5 : memref<512xi32, #tpu.memory_space<vmem>>)
      tpu.yield
    }) : () -> ()
    %dma_start3A_19 = arith.constant 0 : i32
    %dma_start3A_20 = arith.constant 0 : i32
    %dma_start3A_21 = tpu.memref_slice %arg3[%dma_start3A_19, %dma_start3A_20] : memref<8192x128xf32, #tpu.memory_space<hbm>> -> memref<8192x128xf32, #tpu.memory_space<hbm>>
    tpu.enqueue_indirect_dma source(%dma_start3A_21 : memref<8192x128xf32, #tpu.memory_space<hbm>>) target(%arg6 : memref<512x128xf32, #tpu.memory_space<vmem>>) offsets(%arg5 : memref<512xi32, #tpu.memory_space<vmem>>) semaphore(%arg7 : memref<!tpu.dma_semaphore, #tpu.memory_space<semaphore_mem>>)
    %dma_wait3A_22 = arith.constant 0 : i32
    %dma_wait3A_23 = arith.constant 0 : i32
    %dma_wait3A_24 = tpu.memref_slice %arg3[%dma_wait3A_22, %dma_wait3A_23] : memref<8192x128xf32, #tpu.memory_space<hbm>> -> memref<8192x128xf32, #tpu.memory_space<hbm>>
    tpu.wait_indirect_dma semaphore(%arg7 : memref<!tpu.dma_semaphore, #tpu.memory_space<semaphore_mem>>) src(%dma_wait3A_24 : memref<8192x128xf32, #tpu.memory_space<hbm>>) dst(%arg6 : memref<512x128xf32, #tpu.memory_space<vmem>>)
    "tpu.region"() ({
      %run_scoped3A = tpu.sem_alloc : memref<!tpu.dma_semaphore, #tpu.memory_space<semaphore_mem>>
      %dma_start3A_49 = arith.constant 0 : i32
      %dma_start3A_50 = tpu.memref_slice %arg4[%add3A_18, %dma_start3A_49] : memref<98304x128xf32, #tpu.memory_space<hbm>> -> memref<512x128xf32, #tpu.memory_space<hbm>>
      %dma_start3A_51 = arith.constant 0 : i32
      %dma_start3A_52 = tpu.memref_slice %arg4[%add3A_18, %dma_start3A_51] : memref<98304x128xf32, #tpu.memory_space<hbm>> -> memref<512x128xf32, #tpu.memory_space<hbm>>
      tpu.enqueue_dma source(%arg6 : memref<512x128xf32, #tpu.memory_space<vmem>>) target(%dma_start3A_52 : memref<512x128xf32, #tpu.memory_space<hbm>>) target_semaphore(%run_scoped3A : memref<!tpu.dma_semaphore, #tpu.memory_space<semaphore_mem>>)
      %dma_wait3A_53 = arith.constant 0 : i32
      %dma_wait3A_54 = tpu.memref_slice %arg4[%add3A_18, %dma_wait3A_53] : memref<98304x128xf32, #tpu.memory_space<hbm>> -> memref<512x128xf32, #tpu.memory_space<hbm>>
      %dma_wait3A_55 = arith.constant 0 : i32
      %dma_wait3A_56 = tpu.memref_slice %arg4[%add3A_18, %dma_wait3A_55] : memref<98304x128xf32, #tpu.memory_space<hbm>> -> memref<512x128xf32, #tpu.memory_space<hbm>>
      tpu.wait_dma2 semaphore(%run_scoped3A : memref<!tpu.dma_semaphore, #tpu.memory_space<semaphore_mem>>) src(%arg6 : memref<512x128xf32, #tpu.memory_space<vmem>>) dst(%dma_wait3A_56 : memref<512x128xf32, #tpu.memory_space<hbm>>)
      tpu.yield
    }) : () -> ()
    %add3A_25 = arith.constant 1536 : i32
    %add3A_26 = arith.addi %mul3A_2, %add3A_25 : i32
    "tpu.region"() ({
      %run_scoped3A = tpu.sem_alloc : memref<!tpu.dma_semaphore, #tpu.memory_space<semaphore_mem>>
      %dma_start3A_49 = tpu.memref_slice %arg2[%add3A_26] : memref<98304xi32, #tpu.memory_space<hbm>> -> memref<512xi32, #tpu.memory_space<hbm>>
      %dma_start3A_50 = tpu.memref_slice %arg2[%add3A_26] : memref<98304xi32, #tpu.memory_space<hbm>> -> memref<512xi32, #tpu.memory_space<hbm>>
      tpu.enqueue_dma source(%dma_start3A_50 : memref<512xi32, #tpu.memory_space<hbm>>) target(%arg5 : memref<512xi32, #tpu.memory_space<vmem>>) target_semaphore(%run_scoped3A : memref<!tpu.dma_semaphore, #tpu.memory_space<semaphore_mem>>)
      %dma_wait3A_51 = tpu.memref_slice %arg2[%add3A_26] : memref<98304xi32, #tpu.memory_space<hbm>> -> memref<512xi32, #tpu.memory_space<hbm>>
      %dma_wait3A_52 = tpu.memref_slice %arg2[%add3A_26] : memref<98304xi32, #tpu.memory_space<hbm>> -> memref<512xi32, #tpu.memory_space<hbm>>
      tpu.wait_dma2 semaphore(%run_scoped3A : memref<!tpu.dma_semaphore, #tpu.memory_space<semaphore_mem>>) src(%dma_wait3A_52 : memref<512xi32, #tpu.memory_space<hbm>>) dst(%arg5 : memref<512xi32, #tpu.memory_space<vmem>>)
      tpu.yield
    }) : () -> ()
    %dma_start3A_27 = arith.constant 0 : i32
    %dma_start3A_28 = arith.constant 0 : i32
    %dma_start3A_29 = tpu.memref_slice %arg3[%dma_start3A_27, %dma_start3A_28] : memref<8192x128xf32, #tpu.memory_space<hbm>> -> memref<8192x128xf32, #tpu.memory_space<hbm>>
    tpu.enqueue_indirect_dma source(%dma_start3A_29 : memref<8192x128xf32, #tpu.memory_space<hbm>>) target(%arg6 : memref<512x128xf32, #tpu.memory_space<vmem>>) offsets(%arg5 : memref<512xi32, #tpu.memory_space<vmem>>) semaphore(%arg7 : memref<!tpu.dma_semaphore, #tpu.memory_space<semaphore_mem>>)
    %dma_wait3A_30 = arith.constant 0 : i32
    %dma_wait3A_31 = arith.constant 0 : i32
    %dma_wait3A_32 = tpu.memref_slice %arg3[%dma_wait3A_30, %dma_wait3A_31] : memref<8192x128xf32, #tpu.memory_space<hbm>> -> memref<8192x128xf32, #tpu.memory_space<hbm>>
    tpu.wait_indirect_dma semaphore(%arg7 : memref<!tpu.dma_semaphore, #tpu.memory_space<semaphore_mem>>) src(%dma_wait3A_32 : memref<8192x128xf32, #tpu.memory_space<hbm>>) dst(%arg6 : memref<512x128xf32, #tpu.memory_space<vmem>>)
    "tpu.region"() ({
      %run_scoped3A = tpu.sem_alloc : memref<!tpu.dma_semaphore, #tpu.memory_space<semaphore_mem>>
      %dma_start3A_49 = arith.constant 0 : i32
      %dma_start3A_50 = tpu.memref_slice %arg4[%add3A_26, %dma_start3A_49] : memref<98304x128xf32, #tpu.memory_space<hbm>> -> memref<512x128xf32, #tpu.memory_space<hbm>>
      %dma_start3A_51 = arith.constant 0 : i32
      %dma_start3A_52 = tpu.memref_slice %arg4[%add3A_26, %dma_start3A_51] : memref<98304x128xf32, #tpu.memory_space<hbm>> -> memref<512x128xf32, #tpu.memory_space<hbm>>
      tpu.enqueue_dma source(%arg6 : memref<512x128xf32, #tpu.memory_space<vmem>>) target(%dma_start3A_52 : memref<512x128xf32, #tpu.memory_space<hbm>>) target_semaphore(%run_scoped3A : memref<!tpu.dma_semaphore, #tpu.memory_space<semaphore_mem>>)
      %dma_wait3A_53 = arith.constant 0 : i32
      %dma_wait3A_54 = tpu.memref_slice %arg4[%add3A_26, %dma_wait3A_53] : memref<98304x128xf32, #tpu.memory_space<hbm>> -> memref<512x128xf32, #tpu.memory_space<hbm>>
      %dma_wait3A_55 = arith.constant 0 : i32
      %dma_wait3A_56 = tpu.memref_slice %arg4[%add3A_26, %dma_wait3A_55] : memref<98304x128xf32, #tpu.memory_space<hbm>> -> memref<512x128xf32, #tpu.memory_space<hbm>>
      tpu.wait_dma2 semaphore(%run_scoped3A : memref<!tpu.dma_semaphore, #tpu.memory_space<semaphore_mem>>) src(%arg6 : memref<512x128xf32, #tpu.memory_space<vmem>>) dst(%dma_wait3A_56 : memref<512x128xf32, #tpu.memory_space<hbm>>)
      tpu.yield
    }) : () -> ()
    %add3A_33 = arith.constant 2048 : i32
    %add3A_34 = arith.addi %mul3A_2, %add3A_33 : i32
    "tpu.region"() ({
      %run_scoped3A = tpu.sem_alloc : memref<!tpu.dma_semaphore, #tpu.memory_space<semaphore_mem>>
      %dma_start3A_49 = tpu.memref_slice %arg2[%add3A_34] : memref<98304xi32, #tpu.memory_space<hbm>> -> memref<512xi32, #tpu.memory_space<hbm>>
      %dma_start3A_50 = tpu.memref_slice %arg2[%add3A_34] : memref<98304xi32, #tpu.memory_space<hbm>> -> memref<512xi32, #tpu.memory_space<hbm>>
      tpu.enqueue_dma source(%dma_start3A_50 : memref<512xi32, #tpu.memory_space<hbm>>) target(%arg5 : memref<512xi32, #tpu.memory_space<vmem>>) target_semaphore(%run_scoped3A : memref<!tpu.dma_semaphore, #tpu.memory_space<semaphore_mem>>)
      %dma_wait3A_51 = tpu.memref_slice %arg2[%add3A_34] : memref<98304xi32, #tpu.memory_space<hbm>> -> memref<512xi32, #tpu.memory_space<hbm>>
      %dma_wait3A_52 = tpu.memref_slice %arg2[%add3A_34] : memref<98304xi32, #tpu.memory_space<hbm>> -> memref<512xi32, #tpu.memory_space<hbm>>
      tpu.wait_dma2 semaphore(%run_scoped3A : memref<!tpu.dma_semaphore, #tpu.memory_space<semaphore_mem>>) src(%dma_wait3A_52 : memref<512xi32, #tpu.memory_space<hbm>>) dst(%arg5 : memref<512xi32, #tpu.memory_space<vmem>>)
      tpu.yield
    }) : () -> ()
    %dma_start3A_35 = arith.constant 0 : i32
    %dma_start3A_36 = arith.constant 0 : i32
    %dma_start3A_37 = tpu.memref_slice %arg3[%dma_start3A_35, %dma_start3A_36] : memref<8192x128xf32, #tpu.memory_space<hbm>> -> memref<8192x128xf32, #tpu.memory_space<hbm>>
    tpu.enqueue_indirect_dma source(%dma_start3A_37 : memref<8192x128xf32, #tpu.memory_space<hbm>>) target(%arg6 : memref<512x128xf32, #tpu.memory_space<vmem>>) offsets(%arg5 : memref<512xi32, #tpu.memory_space<vmem>>) semaphore(%arg7 : memref<!tpu.dma_semaphore, #tpu.memory_space<semaphore_mem>>)
    %dma_wait3A_38 = arith.constant 0 : i32
    %dma_wait3A_39 = arith.constant 0 : i32
    %dma_wait3A_40 = tpu.memref_slice %arg3[%dma_wait3A_38, %dma_wait3A_39] : memref<8192x128xf32, #tpu.memory_space<hbm>> -> memref<8192x128xf32, #tpu.memory_space<hbm>>
    tpu.wait_indirect_dma semaphore(%arg7 : memref<!tpu.dma_semaphore, #tpu.memory_space<semaphore_mem>>) src(%dma_wait3A_40 : memref<8192x128xf32, #tpu.memory_space<hbm>>) dst(%arg6 : memref<512x128xf32, #tpu.memory_space<vmem>>)
    "tpu.region"() ({
      %run_scoped3A = tpu.sem_alloc : memref<!tpu.dma_semaphore, #tpu.memory_space<semaphore_mem>>
      %dma_start3A_49 = arith.constant 0 : i32
      %dma_start3A_50 = tpu.memref_slice %arg4[%add3A_34, %dma_start3A_49] : memref<98304x128xf32, #tpu.memory_space<hbm>> -> memref<512x128xf32, #tpu.memory_space<hbm>>
      %dma_start3A_51 = arith.constant 0 : i32
      %dma_start3A_52 = tpu.memref_slice %arg4[%add3A_34, %dma_start3A_51] : memref<98304x128xf32, #tpu.memory_space<hbm>> -> memref<512x128xf32, #tpu.memory_space<hbm>>
      tpu.enqueue_dma source(%arg6 : memref<512x128xf32, #tpu.memory_space<vmem>>) target(%dma_start3A_52 : memref<512x128xf32, #tpu.memory_space<hbm>>) target_semaphore(%run_scoped3A : memref<!tpu.dma_semaphore, #tpu.memory_space<semaphore_mem>>)
      %dma_wait3A_53 = arith.constant 0 : i32
      %dma_wait3A_54 = tpu.memref_slice %arg4[%add3A_34, %dma_wait3A_53] : memref<98304x128xf32, #tpu.memory_space<hbm>> -> memref<512x128xf32, #tpu.memory_space<hbm>>
      %dma_wait3A_55 = arith.constant 0 : i32
      %dma_wait3A_56 = tpu.memref_slice %arg4[%add3A_34, %dma_wait3A_55] : memref<98304x128xf32, #tpu.memory_space<hbm>> -> memref<512x128xf32, #tpu.memory_space<hbm>>
      tpu.wait_dma2 semaphore(%run_scoped3A : memref<!tpu.dma_semaphore, #tpu.memory_space<semaphore_mem>>) src(%arg6 : memref<512x128xf32, #tpu.memory_space<vmem>>) dst(%dma_wait3A_56 : memref<512x128xf32, #tpu.memory_space<hbm>>)
      tpu.yield
    }) : () -> ()
    %add3A_41 = arith.constant 2560 : i32
    %add3A_42 = arith.addi %mul3A_2, %add3A_41 : i32
    "tpu.region"() ({
      %run_scoped3A = tpu.sem_alloc : memref<!tpu.dma_semaphore, #tpu.memory_space<semaphore_mem>>
      %dma_start3A_49 = tpu.memref_slice %arg2[%add3A_42] : memref<98304xi32, #tpu.memory_space<hbm>> -> memref<512xi32, #tpu.memory_space<hbm>>
      %dma_start3A_50 = tpu.memref_slice %arg2[%add3A_42] : memref<98304xi32, #tpu.memory_space<hbm>> -> memref<512xi32, #tpu.memory_space<hbm>>
      tpu.enqueue_dma source(%dma_start3A_50 : memref<512xi32, #tpu.memory_space<hbm>>) target(%arg5 : memref<512xi32, #tpu.memory_space<vmem>>) target_semaphore(%run_scoped3A : memref<!tpu.dma_semaphore, #tpu.memory_space<semaphore_mem>>)
      %dma_wait3A_51 = tpu.memref_slice %arg2[%add3A_42] : memref<98304xi32, #tpu.memory_space<hbm>> -> memref<512xi32, #tpu.memory_space<hbm>>
      %dma_wait3A_52 = tpu.memref_slice %arg2[%add3A_42] : memref<98304xi32, #tpu.memory_space<hbm>> -> memref<512xi32, #tpu.memory_space<hbm>>
      tpu.wait_dma2 semaphore(%run_scoped3A : memref<!tpu.dma_semaphore, #tpu.memory_space<semaphore_mem>>) src(%dma_wait3A_52 : memref<512xi32, #tpu.memory_space<hbm>>) dst(%arg5 : memref<512xi32, #tpu.memory_space<vmem>>)
      tpu.yield
    }) : () -> ()
    %dma_start3A_43 = arith.constant 0 : i32
    %dma_start3A_44 = arith.constant 0 : i32
    %dma_start3A_45 = tpu.memref_slice %arg3[%dma_start3A_43, %dma_start3A_44] : memref<8192x128xf32, #tpu.memory_space<hbm>> -> memref<8192x128xf32, #tpu.memory_space<hbm>>
    tpu.enqueue_indirect_dma source(%dma_start3A_45 : memref<8192x128xf32, #tpu.memory_space<hbm>>) target(%arg6 : memref<512x128xf32, #tpu.memory_space<vmem>>) offsets(%arg5 : memref<512xi32, #tpu.memory_space<vmem>>) semaphore(%arg7 : memref<!tpu.dma_semaphore, #tpu.memory_space<semaphore_mem>>)
    %dma_wait3A_46 = arith.constant 0 : i32
    %dma_wait3A_47 = arith.constant 0 : i32
    %dma_wait3A_48 = tpu.memref_slice %arg3[%dma_wait3A_46, %dma_wait3A_47] : memref<8192x128xf32, #tpu.memory_space<hbm>> -> memref<8192x128xf32, #tpu.memory_space<hbm>>
    tpu.wait_indirect_dma semaphore(%arg7 : memref<!tpu.dma_semaphore, #tpu.memory_space<semaphore_mem>>) src(%dma_wait3A_48 : memref<8192x128xf32, #tpu.memory_space<hbm>>) dst(%arg6 : memref<512x128xf32, #tpu.memory_space<vmem>>)
    "tpu.region"() ({
      %run_scoped3A = tpu.sem_alloc : memref<!tpu.dma_semaphore, #tpu.memory_space<semaphore_mem>>
      %dma_start3A_49 = arith.constant 0 : i32
      %dma_start3A_50 = tpu.memref_slice %arg4[%add3A_42, %dma_start3A_49] : memref<98304x128xf32, #tpu.memory_space<hbm>> -> memref<512x128xf32, #tpu.memory_space<hbm>>
      %dma_start3A_51 = arith.constant 0 : i32
      %dma_start3A_52 = tpu.memref_slice %arg4[%add3A_42, %dma_start3A_51] : memref<98304x128xf32, #tpu.memory_space<hbm>> -> memref<512x128xf32, #tpu.memory_space<hbm>>
      tpu.enqueue_dma source(%arg6 : memref<512x128xf32, #tpu.memory_space<vmem>>) target(%dma_start3A_52 : memref<512x128xf32, #tpu.memory_space<hbm>>) target_semaphore(%run_scoped3A : memref<!tpu.dma_semaphore, #tpu.memory_space<semaphore_mem>>)
      %dma_wait3A_53 = arith.constant 0 : i32
      %dma_wait3A_54 = tpu.memref_slice %arg4[%add3A_42, %dma_wait3A_53] : memref<98304x128xf32, #tpu.memory_space<hbm>> -> memref<512x128xf32, #tpu.memory_space<hbm>>
      %dma_wait3A_55 = arith.constant 0 : i32
      %dma_wait3A_56 = tpu.memref_slice %arg4[%add3A_42, %dma_wait3A_55] : memref<98304x128xf32, #tpu.memory_space<hbm>> -> memref<512x128xf32, #tpu.memory_space<hbm>>
      tpu.wait_dma2 semaphore(%run_scoped3A : memref<!tpu.dma_semaphore, #tpu.memory_space<semaphore_mem>>) src(%arg6 : memref<512x128xf32, #tpu.memory_space<vmem>>) dst(%dma_wait3A_56 : memref<512x128xf32, #tpu.memory_space<hbm>>)
      tpu.yield
    }) : () -> ()
    return
  }
}

module attributes {stable_mosaic.version = 14 : i64} {
  func.func @_knn_body(%arg0: i32, %arg1: i32, %arg2: memref<1x512x3xf32, #tpu.memory_space<vmem>>, %arg3: memref<1x3x2048xf32, #tpu.memory_space<vmem>>, %arg4: memref<1x512x3xf32, #tpu.memory_space<vmem>>, %arg5: memref<1x512x3xi32, #tpu.memory_space<vmem>>) attributes {dimension_semantics = [#tpu.dimension_semantics<arbitrary>, #tpu.dimension_semantics<arbitrary>], iteration_bounds = array<i64: 4, 16>, scalar_prefetch = 0 : i64, scratch_operands = 0 : i64, tpu.core_type = #tpu.core_type<tc>, window_params = [{transform_indices = @transform_0, window_bounds = array<i64: 1, 512, 3>}, {transform_indices = @transform_1, window_bounds = array<i64: 1, 3, 2048>}, {transform_indices = @transform_2, window_bounds = array<i64: 1, 512, 3>}, {transform_indices = @transform_3, window_bounds = array<i64: 1, 512, 3>}]} {
    %get3A = arith.constant 0 : index
    %get3A_0 = arith.constant 0 : index
    %get3A_1 = arith.constant 0 : index
    %get3A_2 = vector.load %arg2[%get3A, %get3A_0, %get3A_1] : memref<1x512x3xf32, #tpu.memory_space<vmem>>, vector<1x512x3xf32>
    %get3A_3 = vector.shape_cast %get3A_2 : vector<1x512x3xf32> to vector<512x3xf32>
    %get3A_4 = arith.constant 0 : index
    %get3A_5 = arith.constant 0 : index
    %get3A_6 = arith.constant 0 : index
    %get3A_7 = vector.load %arg3[%get3A_4, %get3A_5, %get3A_6] : memref<1x3x2048xf32, #tpu.memory_space<vmem>>, vector<1x3x2048xf32>
    %get3A_8 = vector.shape_cast %get3A_7 : vector<1x3x2048xf32> to vector<3x2048xf32>
    %mul3A = arith.mulf %get3A_3, %get3A_3 : vector<512x3xf32>
    %reduce_sum3A = arith.constant dense<0.000000e+00> : vector<512xf32>
    %reduce_sum3A_9 = vector.multi_reduction <add>, %mul3A, %reduce_sum3A [1] : vector<512x3xf32> to vector<512xf32>
    %broadcast_in_dim3A = vector.shape_cast %reduce_sum3A_9 : vector<512xf32> to vector<512x1xf32>
    %slice3A = vector.extract_strided_slice %get3A_8 {offsets = [0, 0], sizes = [1, 2048], strides = [1, 1]} : vector<3x2048xf32> to vector<1x2048xf32>
    %slice3A_10 = vector.extract_strided_slice %get3A_8 {offsets = [0, 0], sizes = [1, 2048], strides = [1, 1]} : vector<3x2048xf32> to vector<1x2048xf32>
    %mul3A_11 = arith.mulf %slice3A, %slice3A_10 : vector<1x2048xf32>
    %slice3A_12 = vector.extract_strided_slice %get3A_8 {offsets = [1, 0], sizes = [1, 2048], strides = [1, 1]} : vector<3x2048xf32> to vector<1x2048xf32>
    %slice3A_13 = vector.extract_strided_slice %get3A_8 {offsets = [1, 0], sizes = [1, 2048], strides = [1, 1]} : vector<3x2048xf32> to vector<1x2048xf32>
    %mul3A_14 = arith.mulf %slice3A_12, %slice3A_13 : vector<1x2048xf32>
    %add3A = arith.addf %mul3A_11, %mul3A_14 : vector<1x2048xf32>
    %slice3A_15 = vector.extract_strided_slice %get3A_8 {offsets = [2, 0], sizes = [1, 2048], strides = [1, 1]} : vector<3x2048xf32> to vector<1x2048xf32>
    %slice3A_16 = vector.extract_strided_slice %get3A_8 {offsets = [2, 0], sizes = [1, 2048], strides = [1, 1]} : vector<3x2048xf32> to vector<1x2048xf32>
    %mul3A_17 = arith.mulf %slice3A_15, %slice3A_16 : vector<1x2048xf32>
    %add3A_18 = arith.addf %add3A, %mul3A_17 : vector<1x2048xf32>
    %convert_element_type3A = arith.truncf %get3A_3 : vector<512x3xf32> to vector<512x3xbf16>
    %convert_element_type3A_19 = arith.truncf %get3A_8 : vector<3x2048xf32> to vector<3x2048xbf16>
    %dot_general3A = arith.constant dense<0.000000e+00> : vector<512x2048xf32>
    %dot_general3A_20 = tpu.matmul %convert_element_type3A, %convert_element_type3A_19, %dot_general3A {dimension_numbers = #tpu.dot_dimension_numbers<[1], [0], [0], [1], [0, 0, 1, 1], [], []>, transpose_lhs_hint = false} : vector<512x3xbf16>, vector<3x2048xbf16>, vector<512x2048xf32> -> vector<512x2048xf32>
    %mul3A_21 = arith.constant 2.000000e+00 : f32
    %mul3A_22 = vector.broadcast %mul3A_21 : f32 to vector<512x2048xf32>
    %mul3A_23 = arith.mulf %mul3A_22, %dot_general3A_20 : vector<512x2048xf32>
    %sub3A = vector.broadcast %broadcast_in_dim3A : vector<512x1xf32> to vector<512x2048xf32>
    %sub3A_24 = arith.subf %sub3A, %mul3A_23 : vector<512x2048xf32>
    %add3A_25 = vector.broadcast %add3A_18 : vector<1x2048xf32> to vector<512x2048xf32>
    %add3A_26 = arith.addf %sub3A_24, %add3A_25 : vector<512x2048xf32>
    %bitcast_convert_type3A = tpu.bitcast %add3A_26 : vector<512x2048xf32> -> vector<512x2048xi32>
    %broadcast_in_dim3A_27 = arith.constant 2147483647 : i32
    %broadcast_in_dim3A_28 = vector.broadcast %broadcast_in_dim3A_27 : i32 to vector<512x128xi32>
    %slice3A_29 = vector.extract_strided_slice %bitcast_convert_type3A {offsets = [0, 0], sizes = [512, 128], strides = [1, 1]} : vector<512x2048xi32> to vector<512x128xi32>
    %and3A = arith.constant -16 : i32
    %and3A_30 = vector.broadcast %and3A : i32 to vector<512x128xi32>
    %and3A_31 = arith.andi %slice3A_29, %and3A_30 : vector<512x128xi32>
    %or3A = arith.constant 0 : i32
    %or3A_32 = vector.broadcast %or3A : i32 to vector<512x128xi32>
    %or3A_33 = arith.ori %and3A_31, %or3A_32 : vector<512x128xi32>
    %max3A = arith.maxsi %broadcast_in_dim3A_28, %or3A_33 : vector<512x128xi32>
    %min3A = arith.minsi %broadcast_in_dim3A_28, %or3A_33 : vector<512x128xi32>
    %max3A_34 = arith.maxsi %broadcast_in_dim3A_28, %max3A : vector<512x128xi32>
    %min3A_35 = arith.minsi %broadcast_in_dim3A_28, %max3A : vector<512x128xi32>
    %min3A_36 = arith.minsi %broadcast_in_dim3A_28, %max3A_34 : vector<512x128xi32>
    %slice3A_37 = vector.extract_strided_slice %bitcast_convert_type3A {offsets = [0, 128], sizes = [512, 128], strides = [1, 1]} : vector<512x2048xi32> to vector<512x128xi32>
    %and3A_38 = arith.constant -16 : i32
    %and3A_39 = vector.broadcast %and3A_38 : i32 to vector<512x128xi32>
    %and3A_40 = arith.andi %slice3A_37, %and3A_39 : vector<512x128xi32>
    %or3A_41 = arith.constant 1 : i32
    %or3A_42 = vector.broadcast %or3A_41 : i32 to vector<512x128xi32>
    %or3A_43 = arith.ori %and3A_40, %or3A_42 : vector<512x128xi32>
    %max3A_44 = arith.maxsi %min3A, %or3A_43 : vector<512x128xi32>
    %min3A_45 = arith.minsi %min3A, %or3A_43 : vector<512x128xi32>
    %max3A_46 = arith.maxsi %min3A_35, %max3A_44 : vector<512x128xi32>
    %min3A_47 = arith.minsi %min3A_35, %max3A_44 : vector<512x128xi32>
    %min3A_48 = arith.minsi %min3A_36, %max3A_46 : vector<512x128xi32>
    %slice3A_49 = vector.extract_strided_slice %bitcast_convert_type3A {offsets = [0, 256], sizes = [512, 128], strides = [1, 1]} : vector<512x2048xi32> to vector<512x128xi32>
    %and3A_50 = arith.constant -16 : i32
    %and3A_51 = vector.broadcast %and3A_50 : i32 to vector<512x128xi32>
    %and3A_52 = arith.andi %slice3A_49, %and3A_51 : vector<512x128xi32>
    %or3A_53 = arith.constant 2 : i32
    %or3A_54 = vector.broadcast %or3A_53 : i32 to vector<512x128xi32>
    %or3A_55 = arith.ori %and3A_52, %or3A_54 : vector<512x128xi32>
    %max3A_56 = arith.maxsi %min3A_45, %or3A_55 : vector<512x128xi32>
    %min3A_57 = arith.minsi %min3A_45, %or3A_55 : vector<512x128xi32>
    %max3A_58 = arith.maxsi %min3A_47, %max3A_56 : vector<512x128xi32>
    %min3A_59 = arith.minsi %min3A_47, %max3A_56 : vector<512x128xi32>
    %min3A_60 = arith.minsi %min3A_48, %max3A_58 : vector<512x128xi32>
    %slice3A_61 = vector.extract_strided_slice %bitcast_convert_type3A {offsets = [0, 384], sizes = [512, 128], strides = [1, 1]} : vector<512x2048xi32> to vector<512x128xi32>
    %and3A_62 = arith.constant -16 : i32
    %and3A_63 = vector.broadcast %and3A_62 : i32 to vector<512x128xi32>
    %and3A_64 = arith.andi %slice3A_61, %and3A_63 : vector<512x128xi32>
    %or3A_65 = arith.constant 3 : i32
    %or3A_66 = vector.broadcast %or3A_65 : i32 to vector<512x128xi32>
    %or3A_67 = arith.ori %and3A_64, %or3A_66 : vector<512x128xi32>
    %max3A_68 = arith.maxsi %min3A_57, %or3A_67 : vector<512x128xi32>
    %min3A_69 = arith.minsi %min3A_57, %or3A_67 : vector<512x128xi32>
    %max3A_70 = arith.maxsi %min3A_59, %max3A_68 : vector<512x128xi32>
    %min3A_71 = arith.minsi %min3A_59, %max3A_68 : vector<512x128xi32>
    %min3A_72 = arith.minsi %min3A_60, %max3A_70 : vector<512x128xi32>
    %slice3A_73 = vector.extract_strided_slice %bitcast_convert_type3A {offsets = [0, 512], sizes = [512, 128], strides = [1, 1]} : vector<512x2048xi32> to vector<512x128xi32>
    %and3A_74 = arith.constant -16 : i32
    %and3A_75 = vector.broadcast %and3A_74 : i32 to vector<512x128xi32>
    %and3A_76 = arith.andi %slice3A_73, %and3A_75 : vector<512x128xi32>
    %or3A_77 = arith.constant 4 : i32
    %or3A_78 = vector.broadcast %or3A_77 : i32 to vector<512x128xi32>
    %or3A_79 = arith.ori %and3A_76, %or3A_78 : vector<512x128xi32>
    %max3A_80 = arith.maxsi %min3A_69, %or3A_79 : vector<512x128xi32>
    %min3A_81 = arith.minsi %min3A_69, %or3A_79 : vector<512x128xi32>
    %max3A_82 = arith.maxsi %min3A_71, %max3A_80 : vector<512x128xi32>
    %min3A_83 = arith.minsi %min3A_71, %max3A_80 : vector<512x128xi32>
    %min3A_84 = arith.minsi %min3A_72, %max3A_82 : vector<512x128xi32>
    %slice3A_85 = vector.extract_strided_slice %bitcast_convert_type3A {offsets = [0, 640], sizes = [512, 128], strides = [1, 1]} : vector<512x2048xi32> to vector<512x128xi32>
    %and3A_86 = arith.constant -16 : i32
    %and3A_87 = vector.broadcast %and3A_86 : i32 to vector<512x128xi32>
    %and3A_88 = arith.andi %slice3A_85, %and3A_87 : vector<512x128xi32>
    %or3A_89 = arith.constant 5 : i32
    %or3A_90 = vector.broadcast %or3A_89 : i32 to vector<512x128xi32>
    %or3A_91 = arith.ori %and3A_88, %or3A_90 : vector<512x128xi32>
    %max3A_92 = arith.maxsi %min3A_81, %or3A_91 : vector<512x128xi32>
    %min3A_93 = arith.minsi %min3A_81, %or3A_91 : vector<512x128xi32>
    %max3A_94 = arith.maxsi %min3A_83, %max3A_92 : vector<512x128xi32>
    %min3A_95 = arith.minsi %min3A_83, %max3A_92 : vector<512x128xi32>
    %min3A_96 = arith.minsi %min3A_84, %max3A_94 : vector<512x128xi32>
    %slice3A_97 = vector.extract_strided_slice %bitcast_convert_type3A {offsets = [0, 768], sizes = [512, 128], strides = [1, 1]} : vector<512x2048xi32> to vector<512x128xi32>
    %and3A_98 = arith.constant -16 : i32
    %and3A_99 = vector.broadcast %and3A_98 : i32 to vector<512x128xi32>
    %and3A_100 = arith.andi %slice3A_97, %and3A_99 : vector<512x128xi32>
    %or3A_101 = arith.constant 6 : i32
    %or3A_102 = vector.broadcast %or3A_101 : i32 to vector<512x128xi32>
    %or3A_103 = arith.ori %and3A_100, %or3A_102 : vector<512x128xi32>
    %max3A_104 = arith.maxsi %min3A_93, %or3A_103 : vector<512x128xi32>
    %min3A_105 = arith.minsi %min3A_93, %or3A_103 : vector<512x128xi32>
    %max3A_106 = arith.maxsi %min3A_95, %max3A_104 : vector<512x128xi32>
    %min3A_107 = arith.minsi %min3A_95, %max3A_104 : vector<512x128xi32>
    %min3A_108 = arith.minsi %min3A_96, %max3A_106 : vector<512x128xi32>
    %slice3A_109 = vector.extract_strided_slice %bitcast_convert_type3A {offsets = [0, 896], sizes = [512, 128], strides = [1, 1]} : vector<512x2048xi32> to vector<512x128xi32>
    %and3A_110 = arith.constant -16 : i32
    %and3A_111 = vector.broadcast %and3A_110 : i32 to vector<512x128xi32>
    %and3A_112 = arith.andi %slice3A_109, %and3A_111 : vector<512x128xi32>
    %or3A_113 = arith.constant 7 : i32
    %or3A_114 = vector.broadcast %or3A_113 : i32 to vector<512x128xi32>
    %or3A_115 = arith.ori %and3A_112, %or3A_114 : vector<512x128xi32>
    %max3A_116 = arith.maxsi %min3A_105, %or3A_115 : vector<512x128xi32>
    %min3A_117 = arith.minsi %min3A_105, %or3A_115 : vector<512x128xi32>
    %max3A_118 = arith.maxsi %min3A_107, %max3A_116 : vector<512x128xi32>
    %min3A_119 = arith.minsi %min3A_107, %max3A_116 : vector<512x128xi32>
    %min3A_120 = arith.minsi %min3A_108, %max3A_118 : vector<512x128xi32>
    %slice3A_121 = vector.extract_strided_slice %bitcast_convert_type3A {offsets = [0, 1024], sizes = [512, 128], strides = [1, 1]} : vector<512x2048xi32> to vector<512x128xi32>
    %and3A_122 = arith.constant -16 : i32
    %and3A_123 = vector.broadcast %and3A_122 : i32 to vector<512x128xi32>
    %and3A_124 = arith.andi %slice3A_121, %and3A_123 : vector<512x128xi32>
    %or3A_125 = arith.constant 8 : i32
    %or3A_126 = vector.broadcast %or3A_125 : i32 to vector<512x128xi32>
    %or3A_127 = arith.ori %and3A_124, %or3A_126 : vector<512x128xi32>
    %max3A_128 = arith.maxsi %min3A_117, %or3A_127 : vector<512x128xi32>
    %min3A_129 = arith.minsi %min3A_117, %or3A_127 : vector<512x128xi32>
    %max3A_130 = arith.maxsi %min3A_119, %max3A_128 : vector<512x128xi32>
    %min3A_131 = arith.minsi %min3A_119, %max3A_128 : vector<512x128xi32>
    %min3A_132 = arith.minsi %min3A_120, %max3A_130 : vector<512x128xi32>
    %slice3A_133 = vector.extract_strided_slice %bitcast_convert_type3A {offsets = [0, 1152], sizes = [512, 128], strides = [1, 1]} : vector<512x2048xi32> to vector<512x128xi32>
    %and3A_134 = arith.constant -16 : i32
    %and3A_135 = vector.broadcast %and3A_134 : i32 to vector<512x128xi32>
    %and3A_136 = arith.andi %slice3A_133, %and3A_135 : vector<512x128xi32>
    %or3A_137 = arith.constant 9 : i32
    %or3A_138 = vector.broadcast %or3A_137 : i32 to vector<512x128xi32>
    %or3A_139 = arith.ori %and3A_136, %or3A_138 : vector<512x128xi32>
    %max3A_140 = arith.maxsi %min3A_129, %or3A_139 : vector<512x128xi32>
    %min3A_141 = arith.minsi %min3A_129, %or3A_139 : vector<512x128xi32>
    %max3A_142 = arith.maxsi %min3A_131, %max3A_140 : vector<512x128xi32>
    %min3A_143 = arith.minsi %min3A_131, %max3A_140 : vector<512x128xi32>
    %min3A_144 = arith.minsi %min3A_132, %max3A_142 : vector<512x128xi32>
    %slice3A_145 = vector.extract_strided_slice %bitcast_convert_type3A {offsets = [0, 1280], sizes = [512, 128], strides = [1, 1]} : vector<512x2048xi32> to vector<512x128xi32>
    %and3A_146 = arith.constant -16 : i32
    %and3A_147 = vector.broadcast %and3A_146 : i32 to vector<512x128xi32>
    %and3A_148 = arith.andi %slice3A_145, %and3A_147 : vector<512x128xi32>
    %or3A_149 = arith.constant 10 : i32
    %or3A_150 = vector.broadcast %or3A_149 : i32 to vector<512x128xi32>
    %or3A_151 = arith.ori %and3A_148, %or3A_150 : vector<512x128xi32>
    %max3A_152 = arith.maxsi %min3A_141, %or3A_151 : vector<512x128xi32>
    %min3A_153 = arith.minsi %min3A_141, %or3A_151 : vector<512x128xi32>
    %max3A_154 = arith.maxsi %min3A_143, %max3A_152 : vector<512x128xi32>
    %min3A_155 = arith.minsi %min3A_143, %max3A_152 : vector<512x128xi32>
    %min3A_156 = arith.minsi %min3A_144, %max3A_154 : vector<512x128xi32>
    %slice3A_157 = vector.extract_strided_slice %bitcast_convert_type3A {offsets = [0, 1408], sizes = [512, 128], strides = [1, 1]} : vector<512x2048xi32> to vector<512x128xi32>
    %and3A_158 = arith.constant -16 : i32
    %and3A_159 = vector.broadcast %and3A_158 : i32 to vector<512x128xi32>
    %and3A_160 = arith.andi %slice3A_157, %and3A_159 : vector<512x128xi32>
    %or3A_161 = arith.constant 11 : i32
    %or3A_162 = vector.broadcast %or3A_161 : i32 to vector<512x128xi32>
    %or3A_163 = arith.ori %and3A_160, %or3A_162 : vector<512x128xi32>
    %max3A_164 = arith.maxsi %min3A_153, %or3A_163 : vector<512x128xi32>
    %min3A_165 = arith.minsi %min3A_153, %or3A_163 : vector<512x128xi32>
    %max3A_166 = arith.maxsi %min3A_155, %max3A_164 : vector<512x128xi32>
    %min3A_167 = arith.minsi %min3A_155, %max3A_164 : vector<512x128xi32>
    %min3A_168 = arith.minsi %min3A_156, %max3A_166 : vector<512x128xi32>
    %slice3A_169 = vector.extract_strided_slice %bitcast_convert_type3A {offsets = [0, 1536], sizes = [512, 128], strides = [1, 1]} : vector<512x2048xi32> to vector<512x128xi32>
    %and3A_170 = arith.constant -16 : i32
    %and3A_171 = vector.broadcast %and3A_170 : i32 to vector<512x128xi32>
    %and3A_172 = arith.andi %slice3A_169, %and3A_171 : vector<512x128xi32>
    %or3A_173 = arith.constant 12 : i32
    %or3A_174 = vector.broadcast %or3A_173 : i32 to vector<512x128xi32>
    %or3A_175 = arith.ori %and3A_172, %or3A_174 : vector<512x128xi32>
    %max3A_176 = arith.maxsi %min3A_165, %or3A_175 : vector<512x128xi32>
    %min3A_177 = arith.minsi %min3A_165, %or3A_175 : vector<512x128xi32>
    %max3A_178 = arith.maxsi %min3A_167, %max3A_176 : vector<512x128xi32>
    %min3A_179 = arith.minsi %min3A_167, %max3A_176 : vector<512x128xi32>
    %min3A_180 = arith.minsi %min3A_168, %max3A_178 : vector<512x128xi32>
    %slice3A_181 = vector.extract_strided_slice %bitcast_convert_type3A {offsets = [0, 1664], sizes = [512, 128], strides = [1, 1]} : vector<512x2048xi32> to vector<512x128xi32>
    %and3A_182 = arith.constant -16 : i32
    %and3A_183 = vector.broadcast %and3A_182 : i32 to vector<512x128xi32>
    %and3A_184 = arith.andi %slice3A_181, %and3A_183 : vector<512x128xi32>
    %or3A_185 = arith.constant 13 : i32
    %or3A_186 = vector.broadcast %or3A_185 : i32 to vector<512x128xi32>
    %or3A_187 = arith.ori %and3A_184, %or3A_186 : vector<512x128xi32>
    %max3A_188 = arith.maxsi %min3A_177, %or3A_187 : vector<512x128xi32>
    %min3A_189 = arith.minsi %min3A_177, %or3A_187 : vector<512x128xi32>
    %max3A_190 = arith.maxsi %min3A_179, %max3A_188 : vector<512x128xi32>
    %min3A_191 = arith.minsi %min3A_179, %max3A_188 : vector<512x128xi32>
    %min3A_192 = arith.minsi %min3A_180, %max3A_190 : vector<512x128xi32>
    %slice3A_193 = vector.extract_strided_slice %bitcast_convert_type3A {offsets = [0, 1792], sizes = [512, 128], strides = [1, 1]} : vector<512x2048xi32> to vector<512x128xi32>
    %and3A_194 = arith.constant -16 : i32
    %and3A_195 = vector.broadcast %and3A_194 : i32 to vector<512x128xi32>
    %and3A_196 = arith.andi %slice3A_193, %and3A_195 : vector<512x128xi32>
    %or3A_197 = arith.constant 14 : i32
    %or3A_198 = vector.broadcast %or3A_197 : i32 to vector<512x128xi32>
    %or3A_199 = arith.ori %and3A_196, %or3A_198 : vector<512x128xi32>
    %max3A_200 = arith.maxsi %min3A_189, %or3A_199 : vector<512x128xi32>
    %min3A_201 = arith.minsi %min3A_189, %or3A_199 : vector<512x128xi32>
    %max3A_202 = arith.maxsi %min3A_191, %max3A_200 : vector<512x128xi32>
    %min3A_203 = arith.minsi %min3A_191, %max3A_200 : vector<512x128xi32>
    %min3A_204 = arith.minsi %min3A_192, %max3A_202 : vector<512x128xi32>
    %slice3A_205 = vector.extract_strided_slice %bitcast_convert_type3A {offsets = [0, 1920], sizes = [512, 128], strides = [1, 1]} : vector<512x2048xi32> to vector<512x128xi32>
    %and3A_206 = arith.constant -16 : i32
    %and3A_207 = vector.broadcast %and3A_206 : i32 to vector<512x128xi32>
    %and3A_208 = arith.andi %slice3A_205, %and3A_207 : vector<512x128xi32>
    %or3A_209 = arith.constant 15 : i32
    %or3A_210 = vector.broadcast %or3A_209 : i32 to vector<512x128xi32>
    %or3A_211 = arith.ori %and3A_208, %or3A_210 : vector<512x128xi32>
    %max3A_212 = arith.maxsi %min3A_201, %or3A_211 : vector<512x128xi32>
    %min3A_213 = arith.minsi %min3A_201, %or3A_211 : vector<512x128xi32>
    %max3A_214 = arith.maxsi %min3A_203, %max3A_212 : vector<512x128xi32>
    %min3A_215 = arith.minsi %min3A_203, %max3A_212 : vector<512x128xi32>
    %min3A_216 = arith.minsi %min3A_204, %max3A_214 : vector<512x128xi32>
    %concatenate3A = tpu.concatenate %min3A_213, %min3A_215, %min3A_216 in 1 : vector<512x128xi32>, vector<512x128xi32>, vector<512x128xi32> -> vector<512x384xi32>
    %bitcast_convert_type3A_217 = tpu.bitcast %concatenate3A : vector<512x384xi32> -> vector<512x384xf32>
    %iota3A = tpu.iota {dimensions = array<i32: 1>} : vector<512x384xi32>
    %convert_element_type3A_218 = arith.sitofp %iota3A : vector<512x384xi32> to vector<512x384xf32>
    %reduce_min3A = arith.constant dense<0x7F800000> : vector<512xf32>
    %reduce_min3A_219 = vector.multi_reduction <minimumf>, %bitcast_convert_type3A_217, %reduce_min3A [1] : vector<512x384xf32> to vector<512xf32>
    %broadcast_in_dim3A_220 = vector.shape_cast %reduce_min3A_219 : vector<512xf32> to vector<512x1xf32>
    %eq3A = vector.broadcast %broadcast_in_dim3A_220 : vector<512x1xf32> to vector<512x384xf32>
    %eq3A_221 = arith.cmpf oeq, %bitcast_convert_type3A_217, %eq3A : vector<512x384xf32>
    %jit3A = arith.constant 3.000000e+38 : f32
    %broadcast_in_dim3A_222 = vector.broadcast %jit3A : f32 to vector<512x384xf32>
    %select_n3A = arith.select %eq3A_221, %convert_element_type3A_218, %broadcast_in_dim3A_222 : vector<512x384xi1>, vector<512x384xf32>
    %reduce_min3A_223 = arith.constant dense<0x7F800000> : vector<512xf32>
    %reduce_min3A_224 = vector.multi_reduction <minimumf>, %select_n3A, %reduce_min3A_223 [1] : vector<512x384xf32> to vector<512xf32>
    %broadcast_in_dim3A_225 = vector.shape_cast %reduce_min3A_224 : vector<512xf32> to vector<512x1xf32>
    %eq3A_226 = vector.broadcast %broadcast_in_dim3A_225 : vector<512x1xf32> to vector<512x384xf32>
    %eq3A_227 = arith.cmpf oeq, %convert_element_type3A_218, %eq3A_226 : vector<512x384xf32>
    %jit3A_228 = arith.constant 3.000000e+38 : f32
    %broadcast_in_dim3A_229 = vector.broadcast %jit3A_228 : f32 to vector<512x384xf32>
    %select_n3A_230 = arith.select %eq3A_227, %broadcast_in_dim3A_229, %bitcast_convert_type3A_217 : vector<512x384xi1>, vector<512x384xf32>
    %bitcast_convert_type3A_231 = tpu.bitcast %broadcast_in_dim3A_220 : vector<512x1xf32> -> vector<512x1xi32>
    %convert_element_type3A_232 = arith.fptosi %broadcast_in_dim3A_225 : vector<512x1xf32> to vector<512x1xi32>
    %and3A_233 = arith.constant -16 : i32
    %and3A_234 = vector.broadcast %and3A_233 : i32 to vector<512x1xi32>
    %and3A_235 = arith.andi %bitcast_convert_type3A_231, %and3A_234 : vector<512x1xi32>
    %and3A_236 = arith.constant 15 : i32
    %and3A_237 = vector.broadcast %and3A_236 : i32 to vector<512x1xi32>
    %and3A_238 = arith.andi %bitcast_convert_type3A_231, %and3A_237 : vector<512x1xi32>
    %mul3A_239 = arith.constant 128 : i32
    %mul3A_240 = vector.broadcast %mul3A_239 : i32 to vector<512x1xi32>
    %mul3A_241 = arith.muli %and3A_238, %mul3A_240 : vector<512x1xi32>
    %and3A_242 = arith.constant 127 : i32
    %and3A_243 = vector.broadcast %and3A_242 : i32 to vector<512x1xi32>
    %and3A_244 = arith.andi %convert_element_type3A_232, %and3A_243 : vector<512x1xi32>
    %add3A_245 = arith.addi %mul3A_241, %and3A_244 : vector<512x1xi32>
    %reduce_min3A_246 = arith.constant dense<0x7F800000> : vector<512xf32>
    %reduce_min3A_247 = vector.multi_reduction <minimumf>, %select_n3A_230, %reduce_min3A_246 [1] : vector<512x384xf32> to vector<512xf32>
    %broadcast_in_dim3A_248 = vector.shape_cast %reduce_min3A_247 : vector<512xf32> to vector<512x1xf32>
    %eq3A_249 = vector.broadcast %broadcast_in_dim3A_248 : vector<512x1xf32> to vector<512x384xf32>
    %eq3A_250 = arith.cmpf oeq, %select_n3A_230, %eq3A_249 : vector<512x384xf32>
    %jit3A_251 = arith.constant 3.000000e+38 : f32
    %broadcast_in_dim3A_252 = vector.broadcast %jit3A_251 : f32 to vector<512x384xf32>
    %select_n3A_253 = arith.select %eq3A_250, %convert_element_type3A_218, %broadcast_in_dim3A_252 : vector<512x384xi1>, vector<512x384xf32>
    %reduce_min3A_254 = arith.constant dense<0x7F800000> : vector<512xf32>
    %reduce_min3A_255 = vector.multi_reduction <minimumf>, %select_n3A_253, %reduce_min3A_254 [1] : vector<512x384xf32> to vector<512xf32>
    %broadcast_in_dim3A_256 = vector.shape_cast %reduce_min3A_255 : vector<512xf32> to vector<512x1xf32>
    %eq3A_257 = vector.broadcast %broadcast_in_dim3A_256 : vector<512x1xf32> to vector<512x384xf32>
    %eq3A_258 = arith.cmpf oeq, %convert_element_type3A_218, %eq3A_257 : vector<512x384xf32>
    %jit3A_259 = arith.constant 3.000000e+38 : f32
    %broadcast_in_dim3A_260 = vector.broadcast %jit3A_259 : f32 to vector<512x384xf32>
    %select_n3A_261 = arith.select %eq3A_258, %broadcast_in_dim3A_260, %select_n3A_230 : vector<512x384xi1>, vector<512x384xf32>
    %bitcast_convert_type3A_262 = tpu.bitcast %broadcast_in_dim3A_248 : vector<512x1xf32> -> vector<512x1xi32>
    %convert_element_type3A_263 = arith.fptosi %broadcast_in_dim3A_256 : vector<512x1xf32> to vector<512x1xi32>
    %and3A_264 = arith.constant -16 : i32
    %and3A_265 = vector.broadcast %and3A_264 : i32 to vector<512x1xi32>
    %and3A_266 = arith.andi %bitcast_convert_type3A_262, %and3A_265 : vector<512x1xi32>
    %and3A_267 = arith.constant 15 : i32
    %and3A_268 = vector.broadcast %and3A_267 : i32 to vector<512x1xi32>
    %and3A_269 = arith.andi %bitcast_convert_type3A_262, %and3A_268 : vector<512x1xi32>
    %mul3A_270 = arith.constant 128 : i32
    %mul3A_271 = vector.broadcast %mul3A_270 : i32 to vector<512x1xi32>
    %mul3A_272 = arith.muli %and3A_269, %mul3A_271 : vector<512x1xi32>
    %and3A_273 = arith.constant 127 : i32
    %and3A_274 = vector.broadcast %and3A_273 : i32 to vector<512x1xi32>
    %and3A_275 = arith.andi %convert_element_type3A_263, %and3A_274 : vector<512x1xi32>
    %add3A_276 = arith.addi %mul3A_272, %and3A_275 : vector<512x1xi32>
    %reduce_min3A_277 = arith.constant dense<0x7F800000> : vector<512xf32>
    %reduce_min3A_278 = vector.multi_reduction <minimumf>, %select_n3A_261, %reduce_min3A_277 [1] : vector<512x384xf32> to vector<512xf32>
    %broadcast_in_dim3A_279 = vector.shape_cast %reduce_min3A_278 : vector<512xf32> to vector<512x1xf32>
    %eq3A_280 = vector.broadcast %broadcast_in_dim3A_279 : vector<512x1xf32> to vector<512x384xf32>
    %eq3A_281 = arith.cmpf oeq, %select_n3A_261, %eq3A_280 : vector<512x384xf32>
    %jit3A_282 = arith.constant 3.000000e+38 : f32
    %broadcast_in_dim3A_283 = vector.broadcast %jit3A_282 : f32 to vector<512x384xf32>
    %select_n3A_284 = arith.select %eq3A_281, %convert_element_type3A_218, %broadcast_in_dim3A_283 : vector<512x384xi1>, vector<512x384xf32>
    %reduce_min3A_285 = arith.constant dense<0x7F800000> : vector<512xf32>
    %reduce_min3A_286 = vector.multi_reduction <minimumf>, %select_n3A_284, %reduce_min3A_285 [1] : vector<512x384xf32> to vector<512xf32>
    %broadcast_in_dim3A_287 = vector.shape_cast %reduce_min3A_286 : vector<512xf32> to vector<512x1xf32>
    %bitcast_convert_type3A_288 = tpu.bitcast %broadcast_in_dim3A_279 : vector<512x1xf32> -> vector<512x1xi32>
    %convert_element_type3A_289 = arith.fptosi %broadcast_in_dim3A_287 : vector<512x1xf32> to vector<512x1xi32>
    %and3A_290 = arith.constant -16 : i32
    %and3A_291 = vector.broadcast %and3A_290 : i32 to vector<512x1xi32>
    %and3A_292 = arith.andi %bitcast_convert_type3A_288, %and3A_291 : vector<512x1xi32>
    %and3A_293 = arith.constant 15 : i32
    %and3A_294 = vector.broadcast %and3A_293 : i32 to vector<512x1xi32>
    %and3A_295 = arith.andi %bitcast_convert_type3A_288, %and3A_294 : vector<512x1xi32>
    %mul3A_296 = arith.constant 128 : i32
    %mul3A_297 = vector.broadcast %mul3A_296 : i32 to vector<512x1xi32>
    %mul3A_298 = arith.muli %and3A_295, %mul3A_297 : vector<512x1xi32>
    %and3A_299 = arith.constant 127 : i32
    %and3A_300 = vector.broadcast %and3A_299 : i32 to vector<512x1xi32>
    %and3A_301 = arith.andi %convert_element_type3A_289, %and3A_300 : vector<512x1xi32>
    %add3A_302 = arith.addi %mul3A_298, %and3A_301 : vector<512x1xi32>
    %concatenate3A_303 = tpu.concatenate %add3A_245, %add3A_276, %add3A_302 in 1 : vector<512x1xi32>, vector<512x1xi32>, vector<512x1xi32> -> vector<512x3xi32>
    %concatenate3A_304 = tpu.concatenate %and3A_235, %and3A_266, %and3A_292 in 1 : vector<512x1xi32>, vector<512x1xi32>, vector<512x1xi32> -> vector<512x3xi32>
    %bitcast_convert_type3A_305 = tpu.bitcast %concatenate3A_304 : vector<512x3xi32> -> vector<512x3xf32>
    %add3A_306 = arith.constant 9.99999993E-9 : f32
    %add3A_307 = vector.broadcast %add3A_306 : f32 to vector<512x3xf32>
    %add3A_308 = arith.addf %bitcast_convert_type3A_305, %add3A_307 : vector<512x3xf32>
    %div3A = arith.constant 1.000000e+00 : f32
    %div3A_309 = vector.broadcast %div3A : f32 to vector<512x3xf32>
    %div3A_310 = arith.divf %div3A_309, %add3A_308 : vector<512x3xf32>
    %reduce_sum3A_311 = arith.constant dense<0.000000e+00> : vector<512xf32>
    %reduce_sum3A_312 = vector.multi_reduction <add>, %div3A_310, %reduce_sum3A_311 [1] : vector<512x3xf32> to vector<512xf32>
    %broadcast_in_dim3A_313 = vector.shape_cast %reduce_sum3A_312 : vector<512xf32> to vector<512x1xf32>
    %div3A_314 = vector.broadcast %broadcast_in_dim3A_313 : vector<512x1xf32> to vector<512x3xf32>
    %div3A_315 = arith.divf %div3A_310, %div3A_314 : vector<512x3xf32>
    %swap3A = arith.constant 0 : index
    %swap3A_316 = arith.constant 0 : index
    %swap3A_317 = arith.constant 0 : index
    %swap3A_318 = vector.load %arg4[%swap3A, %swap3A_316, %swap3A_317] : memref<1x512x3xf32, #tpu.memory_space<vmem>>, vector<1x512x3xf32>
    %swap3A_319 = vector.shape_cast %swap3A_318 : vector<1x512x3xf32> to vector<512x3xf32>
    %swap3A_320 = vector.shape_cast %div3A_315 : vector<512x3xf32> to vector<1x512x3xf32>
    tpu.vector_store %arg4[%swap3A, %swap3A_316, %swap3A_317], %swap3A_320 {strides = array<i32>} : memref<1x512x3xf32, #tpu.memory_space<vmem>>, vector<1x512x3xf32>,
    %mul3A_321 = arith.constant 2048 : i32
    %mul3A_322 = arith.muli %arg0, %mul3A_321 : i32
    %add3A_323 = vector.broadcast %mul3A_322 : i32 to vector<512x3xi32>
    %add3A_324 = arith.addi %concatenate3A_303, %add3A_323 : vector<512x3xi32>
    %swap3A_325 = arith.constant 0 : index
    %swap3A_326 = arith.constant 0 : index
    %swap3A_327 = arith.constant 0 : index
    %swap3A_328 = vector.load %arg5[%swap3A_325, %swap3A_326, %swap3A_327] : memref<1x512x3xi32, #tpu.memory_space<vmem>>, vector<1x512x3xi32>
    %swap3A_329 = vector.shape_cast %swap3A_328 : vector<1x512x3xi32> to vector<512x3xi32>
    %swap3A_330 = vector.shape_cast %add3A_324 : vector<512x3xi32> to vector<1x512x3xi32>
    tpu.vector_store %arg5[%swap3A_325, %swap3A_326, %swap3A_327], %swap3A_330 {strides = array<i32>} : memref<1x512x3xi32, #tpu.memory_space<vmem>>, vector<1x512x3xi32>,
    return
  }
  func.func @transform_0(%arg0: i32, %arg1: i32) -> (i32, i32, i32) {
    %c0_i32 = arith.constant 0 : i32
    %c0_i32_0 = arith.constant 0 : i32
    return %arg0, %arg1, %c0_i32 : i32, i32, i32
  }
  func.func @transform_1(%arg0: i32, %arg1: i32) -> (i32, i32, i32) {
    %c0_i32 = arith.constant 0 : i32
    %c0_i32_0 = arith.constant 0 : i32
    %c0_i32_1 = arith.constant 0 : i32
    return %arg0, %c0_i32, %c0_i32_0 : i32, i32, i32
  }
  func.func @transform_2(%arg0: i32, %arg1: i32) -> (i32, i32, i32) {
    %c0_i32 = arith.constant 0 : i32
    %c0_i32_0 = arith.constant 0 : i32
    return %arg0, %arg1, %c0_i32 : i32, i32, i32
  }
  func.func @transform_3(%arg0: i32, %arg1: i32) -> (i32, i32, i32) {
    %c0_i32 = arith.constant 0 : i32
    %c0_i32_0 = arith.constant 0 : i32
    return %arg0, %arg1, %c0_i32 : i32, i32, i32
  }
}

module attributes {stable_mosaic.version = 14 : i64} {
  func.func @_mlp1_body(%arg0: i32, %arg1: i32, %arg2: memref<1x64x512xf32, #tpu.memory_space<vmem>>, %arg3: memref<3x512x128xf32, #tpu.memory_space<vmem>>, %arg4: memref<1x512x3xf32, #tpu.memory_space<vmem>>, %arg5: memref<256x64xf32, #tpu.memory_space<vmem>>, %arg6: memref<256x128xf32, #tpu.memory_space<vmem>>, %arg7: memref<256x1xf32, #tpu.memory_space<vmem>>, %arg8: memref<1x256x512xf32, #tpu.memory_space<vmem>>, %arg9: memref<256x2xf32, #tpu.memory_space<vmem>>) attributes {dimension_semantics = [#tpu.dimension_semantics<arbitrary>, #tpu.dimension_semantics<arbitrary>], iteration_bounds = array<i64: 4, 16>, scalar_prefetch = 0 : i64, scratch_operands = 0 : i64, tpu.core_type = #tpu.core_type<tc>, window_params = [{transform_indices = @transform_0, window_bounds = array<i64: 1, 64, 512>}, {transform_indices = @transform_1, window_bounds = array<i64: 3, 512, 128>}, {transform_indices = @transform_2, window_bounds = array<i64: 1, 512, 3>}, {pipeline_mode = #tpu.pipeline_mode<synchronous>, transform_indices = @transform_3, window_bounds = array<i64: 256, 64>}, {pipeline_mode = #tpu.pipeline_mode<synchronous>, transform_indices = @transform_4, window_bounds = array<i64: 256, 128>}, {pipeline_mode = #tpu.pipeline_mode<synchronous>, transform_indices = @transform_5, window_bounds = array<i64: 256, 1>}, {transform_indices = @transform_6, window_bounds = array<i64: 1, 256, 512>}, {pipeline_mode = #tpu.pipeline_mode<synchronous>, transform_indices = @transform_7, window_bounds = array<i64: 256, 2>}]} {
    %get3A = arith.constant 0 : index
    %get3A_0 = arith.constant 0 : index
    %get3A_1 = arith.constant 0 : index
    %get3A_2 = vector.load %arg4[%get3A, %get3A_0, %get3A_1] : memref<1x512x3xf32, #tpu.memory_space<vmem>>, vector<1x512x3xf32>
    %get3A_3 = vector.shape_cast %get3A_2 : vector<1x512x3xf32> to vector<512x3xf32>
    %get3A_4 = arith.constant 0 : index
    %get3A_5 = arith.constant 0 : index
    %get3A_6 = arith.constant 0 : index
    %get3A_7 = vector.load %arg3[%get3A_4, %get3A_5, %get3A_6] : memref<3x512x128xf32, #tpu.memory_space<vmem>>, vector<1x512x128xf32>
    %get3A_8 = vector.shape_cast %get3A_7 : vector<1x512x128xf32> to vector<512x128xf32>
    %slice3A = vector.extract_strided_slice %get3A_3 {offsets = [0, 0], sizes = [512, 1], strides = [1, 1]} : vector<512x3xf32> to vector<512x1xf32>
    %mul3A = vector.broadcast %slice3A : vector<512x1xf32> to vector<512x128xf32>
    %mul3A_9 = arith.mulf %get3A_8, %mul3A : vector<512x128xf32>
    %get3A_10 = arith.constant 1 : index
    %get3A_11 = arith.constant 0 : index
    %get3A_12 = arith.constant 0 : index
    %get3A_13 = vector.load %arg3[%get3A_10, %get3A_11, %get3A_12] : memref<3x512x128xf32, #tpu.memory_space<vmem>>, vector<1x512x128xf32>
    %get3A_14 = vector.shape_cast %get3A_13 : vector<1x512x128xf32> to vector<512x128xf32>
    %slice3A_15 = vector.extract_strided_slice %get3A_3 {offsets = [0, 1], sizes = [512, 1], strides = [1, 1]} : vector<512x3xf32> to vector<512x1xf32>
    %mul3A_16 = vector.broadcast %slice3A_15 : vector<512x1xf32> to vector<512x128xf32>
    %mul3A_17 = arith.mulf %get3A_14, %mul3A_16 : vector<512x128xf32>
    %add3A = arith.addf %mul3A_9, %mul3A_17 : vector<512x128xf32>
    %get3A_18 = arith.constant 2 : index
    %get3A_19 = arith.constant 0 : index
    %get3A_20 = arith.constant 0 : index
    %get3A_21 = vector.load %arg3[%get3A_18, %get3A_19, %get3A_20] : memref<3x512x128xf32, #tpu.memory_space<vmem>>, vector<1x512x128xf32>
    %get3A_22 = vector.shape_cast %get3A_21 : vector<1x512x128xf32> to vector<512x128xf32>
    %slice3A_23 = vector.extract_strided_slice %get3A_3 {offsets = [0, 2], sizes = [512, 1], strides = [1, 1]} : vector<512x3xf32> to vector<512x1xf32>
    %mul3A_24 = vector.broadcast %slice3A_23 : vector<512x1xf32> to vector<512x128xf32>
    %mul3A_25 = arith.mulf %get3A_22, %mul3A_24 : vector<512x128xf32>
    %add3A_26 = arith.addf %add3A, %mul3A_25 : vector<512x128xf32>
    %get3A_27 = arith.constant 0 : index
    %get3A_28 = arith.constant 0 : index
    %get3A_29 = vector.load %arg5[%get3A_27, %get3A_28] : memref<256x64xf32, #tpu.memory_space<vmem>>, vector<256x64xf32>
    %get3A_30 = arith.constant 0 : index
    %get3A_31 = arith.constant 0 : index
    %get3A_32 = arith.constant 0 : index
    %get3A_33 = vector.load %arg2[%get3A_30, %get3A_31, %get3A_32] : memref<1x64x512xf32, #tpu.memory_space<vmem>>, vector<1x64x512xf32>
    %get3A_34 = vector.shape_cast %get3A_33 : vector<1x64x512xf32> to vector<64x512xf32>
    %dot_general3A = arith.constant dense<0.000000e+00> : vector<256x512xf32>
    %dot_general3A_35 = tpu.matmul %get3A_29, %get3A_34, %dot_general3A {dimension_numbers = #tpu.dot_dimension_numbers<[1], [0], [0], [1], [0, 0, 1, 1], [], []>, transpose_lhs_hint = false} : vector<256x64xf32>, vector<64x512xf32>, vector<256x512xf32> -> vector<256x512xf32>
    %get3A_36 = arith.constant 0 : index
    %get3A_37 = arith.constant 0 : index
    %get3A_38 = vector.load %arg6[%get3A_36, %get3A_37] : memref<256x128xf32, #tpu.memory_space<vmem>>, vector<256x128xf32>
    %dot_general3A_39 = arith.constant dense<0.000000e+00> : vector<256x512xf32>
    %dot_general3A_40 = tpu.matmul %get3A_38, %add3A_26, %dot_general3A_39 {dimension_numbers = #tpu.dot_dimension_numbers<[1], [1], [0], [0], [0, 0, 1, 0], [], []>, transpose_lhs_hint = false} : vector<256x128xf32>, vector<512x128xf32>, vector<256x512xf32> -> vector<256x512xf32>
    %add3A_41 = arith.addf %dot_general3A_35, %dot_general3A_40 : vector<256x512xf32>
    %get3A_42 = arith.constant 0 : index
    %get3A_43 = arith.constant 0 : index
    %get3A_44 = vector.load %arg7[%get3A_42, %get3A_43] : memref<256x1xf32, #tpu.memory_space<vmem>>, vector<256x1xf32>
    %add3A_45 = vector.broadcast %get3A_44 : vector<256x1xf32> to vector<256x512xf32>
    %add3A_46 = arith.addf %add3A_41, %add3A_45 : vector<256x512xf32>
    %swap3A = arith.constant 0 : index
    %swap3A_47 = arith.constant 0 : index
    %swap3A_48 = arith.constant 0 : index
    %swap3A_49 = vector.load %arg8[%swap3A, %swap3A_47, %swap3A_48] : memref<1x256x512xf32, #tpu.memory_space<vmem>>, vector<1x256x512xf32>
    %swap3A_50 = vector.shape_cast %swap3A_49 : vector<1x256x512xf32> to vector<256x512xf32>
    %swap3A_51 = vector.shape_cast %add3A_46 : vector<256x512xf32> to vector<1x256x512xf32>
    tpu.vector_store %arg8[%swap3A, %swap3A_47, %swap3A_48], %swap3A_51 {strides = array<i32>} : memref<1x256x512xf32, #tpu.memory_space<vmem>>, vector<1x256x512xf32>,
    %eq3A = arith.constant 0 : i32
    %eq3A_52 = arith.cmpi eq, %arg0, %eq3A : i32
    %eq3A_53 = arith.constant 0 : i32
    %eq3A_54 = arith.cmpi eq, %arg1, %eq3A_53 : i32
    %and3A = arith.andi %eq3A_52, %eq3A_54 : i1
    %convert_element_type3A = arith.extui %and3A : i1 to i32
    %cond3A = arith.constant 0 : i32
    %cond3A_55 = arith.cmpi ne, %convert_element_type3A, %cond3A : i32
    scf.if %cond3A_55 {
      %broadcast_in_dim3A_75 = arith.constant 0.000000e+00 : f32
      %broadcast_in_dim3A_76 = vector.broadcast %broadcast_in_dim3A_75 : f32 to vector<256x2xf32>
      %swap3A_77 = arith.constant 0 : index
      %swap3A_78 = arith.constant 0 : index
      %swap3A_79 = vector.load %arg9[%swap3A_77, %swap3A_78] : memref<256x2xf32, #tpu.memory_space<vmem>>, vector<256x2xf32>
      tpu.vector_store %arg9[%swap3A_77, %swap3A_78], %broadcast_in_dim3A_76 {strides = array<i32>} : memref<256x2xf32, #tpu.memory_space<vmem>>, vector<256x2xf32>,
    } else {
    }
    %get3A_56 = arith.constant 0 : index
    %get3A_57 = arith.constant 0 : index
    %get3A_58 = vector.load %arg9[%get3A_56, %get3A_57] : memref<256x2xf32, #tpu.memory_space<vmem>>, vector<256x1xf32>
    %reduce_sum3A = arith.constant dense<0.000000e+00> : vector<256xf32>
    %reduce_sum3A_59 = vector.multi_reduction <add>, %add3A_46, %reduce_sum3A [1] : vector<256x512xf32> to vector<256xf32>
    %broadcast_in_dim3A = vector.shape_cast %reduce_sum3A_59 : vector<256xf32> to vector<256x1xf32>
    %add3A_60 = arith.addf %get3A_58, %broadcast_in_dim3A : vector<256x1xf32>
    %swap3A_61 = arith.constant 0 : index
    %swap3A_62 = arith.constant 0 : index
    %swap3A_63 = vector.load %arg9[%swap3A_61, %swap3A_62] : memref<256x2xf32, #tpu.memory_space<vmem>>, vector<256x1xf32>
    tpu.vector_store %arg9[%swap3A_61, %swap3A_62], %add3A_60 {strides = array<i32>} : memref<256x2xf32, #tpu.memory_space<vmem>>, vector<256x1xf32>,
    %get3A_64 = arith.constant 0 : index
    %get3A_65 = arith.constant 1 : index
    %get3A_66 = vector.load %arg9[%get3A_64, %get3A_65] : memref<256x2xf32, #tpu.memory_space<vmem>>, vector<256x1xf32>
    %mul3A_67 = arith.mulf %add3A_46, %add3A_46 : vector<256x512xf32>
    %reduce_sum3A_68 = arith.constant dense<0.000000e+00> : vector<256xf32>
    %reduce_sum3A_69 = vector.multi_reduction <add>, %mul3A_67, %reduce_sum3A_68 [1] : vector<256x512xf32> to vector<256xf32>
    %broadcast_in_dim3A_70 = vector.shape_cast %reduce_sum3A_69 : vector<256xf32> to vector<256x1xf32>
    %add3A_71 = arith.addf %get3A_66, %broadcast_in_dim3A_70 : vector<256x1xf32>
    %swap3A_72 = arith.constant 0 : index
    %swap3A_73 = arith.constant 1 : index
    %swap3A_74 = vector.load %arg9[%swap3A_72, %swap3A_73] : memref<256x2xf32, #tpu.memory_space<vmem>>, vector<256x1xf32>
    tpu.vector_store %arg9[%swap3A_72, %swap3A_73], %add3A_71 {strides = array<i32>} : memref<256x2xf32, #tpu.memory_space<vmem>>, vector<256x1xf32>,
    return
  }
  func.func @transform_0(%arg0: i32, %arg1: i32) -> (i32, i32, i32) {
    %c0_i32 = arith.constant 0 : i32
    %c0_i32_0 = arith.constant 0 : i32
    return %arg0, %c0_i32, %arg1 : i32, i32, i32
  }
  func.func @transform_1(%arg0: i32, %arg1: i32) -> (i32, i32, i32) {
    %mul3A = arith.constant 16 : i32
    %mul3A_0 = arith.muli %arg0, %mul3A : i32
    %add3A = arith.addi %mul3A_0, %arg1 : i32
    %c0_i32 = arith.constant 0 : i32
    %c0_i32_1 = arith.constant 0 : i32
    %c0_i32_2 = arith.constant 0 : i32
    return %c0_i32, %add3A, %c0_i32_1 : i32, i32, i32
  }
  func.func @transform_2(%arg0: i32, %arg1: i32) -> (i32, i32, i32) {
    %c0_i32 = arith.constant 0 : i32
    %c0_i32_0 = arith.constant 0 : i32
    return %arg0, %arg1, %c0_i32 : i32, i32, i32
  }
  func.func @transform_3(%arg0: i32, %arg1: i32) -> (i32, i32) {
    %c0_i32 = arith.constant 0 : i32
    %c0_i32_0 = arith.constant 0 : i32
    %c0_i32_1 = arith.constant 0 : i32
    return %c0_i32, %c0_i32_0 : i32, i32
  }
  func.func @transform_4(%arg0: i32, %arg1: i32) -> (i32, i32) {
    %c0_i32 = arith.constant 0 : i32
    %c0_i32_0 = arith.constant 0 : i32
    %c0_i32_1 = arith.constant 0 : i32
    return %c0_i32, %c0_i32_0 : i32, i32
  }
  func.func @transform_5(%arg0: i32, %arg1: i32) -> (i32, i32) {
    %c0_i32 = arith.constant 0 : i32
    %c0_i32_0 = arith.constant 0 : i32
    %c0_i32_1 = arith.constant 0 : i32
    return %c0_i32, %c0_i32_0 : i32, i32
  }
  func.func @transform_6(%arg0: i32, %arg1: i32) -> (i32, i32, i32) {
    %c0_i32 = arith.constant 0 : i32
    %c0_i32_0 = arith.constant 0 : i32
    return %arg0, %c0_i32, %arg1 : i32, i32, i32
  }
  func.func @transform_7(%arg0: i32, %arg1: i32) -> (i32, i32) {
    %c0_i32 = arith.constant 0 : i32
    %c0_i32_0 = arith.constant 0 : i32
    %c0_i32_1 = arith.constant 0 : i32
    return %c0_i32, %c0_i32_0 : i32, i32
  }
}

module attributes {stable_mosaic.version = 14 : i64} {
  func.func @_mlp2_body(%arg0: i32, %arg1: i32, %arg2: memref<1x256x512xf32, #tpu.memory_space<vmem>>, %arg3: memref<256x2xf32, #tpu.memory_space<vmem>>, %arg4: memref<128x256xf32, #tpu.memory_space<vmem>>, %arg5: memref<128x1xf32, #tpu.memory_space<vmem>>, %arg6: memref<256x1xf32, #tpu.memory_space<vmem>>, %arg7: memref<256x1xf32, #tpu.memory_space<vmem>>, %arg8: memref<1x128x512xf32, #tpu.memory_space<vmem>>, %arg9: memref<128x2xf32, #tpu.memory_space<vmem>>) attributes {dimension_semantics = [#tpu.dimension_semantics<arbitrary>, #tpu.dimension_semantics<arbitrary>], iteration_bounds = array<i64: 4, 16>, scalar_prefetch = 0 : i64, scratch_operands = 0 : i64, tpu.core_type = #tpu.core_type<tc>, window_params = [{transform_indices = @transform_0, window_bounds = array<i64: 1, 256, 512>}, {pipeline_mode = #tpu.pipeline_mode<synchronous>, transform_indices = @transform_1, window_bounds = array<i64: 256, 2>}, {pipeline_mode = #tpu.pipeline_mode<synchronous>, transform_indices = @transform_2, window_bounds = array<i64: 128, 256>}, {pipeline_mode = #tpu.pipeline_mode<synchronous>, transform_indices = @transform_3, window_bounds = array<i64: 128, 1>}, {pipeline_mode = #tpu.pipeline_mode<synchronous>, transform_indices = @transform_4, window_bounds = array<i64: 256, 1>}, {pipeline_mode = #tpu.pipeline_mode<synchronous>, transform_indices = @transform_5, window_bounds = array<i64: 256, 1>}, {transform_indices = @transform_6, window_bounds = array<i64: 1, 128, 512>}, {pipeline_mode = #tpu.pipeline_mode<synchronous>, transform_indices = @transform_7, window_bounds = array<i64: 128, 2>}]} {
    %get3A = arith.constant 0 : index
    %get3A_0 = arith.constant 0 : index
    %get3A_1 = vector.load %arg3[%get3A, %get3A_0] : memref<256x2xf32, #tpu.memory_space<vmem>>, vector<256x1xf32>
    %div3A = arith.constant 3.276800e+04 : f32
    %div3A_2 = vector.broadcast %div3A : f32 to vector<256x1xf32>
    %div3A_3 = arith.divf %get3A_1, %div3A_2 : vector<256x1xf32>
    %get3A_4 = arith.constant 0 : index
    %get3A_5 = arith.constant 1 : index
    %get3A_6 = vector.load %arg3[%get3A_4, %get3A_5] : memref<256x2xf32, #tpu.memory_space<vmem>>, vector<256x1xf32>
    %div3A_7 = arith.constant 3.276800e+04 : f32
    %div3A_8 = vector.broadcast %div3A_7 : f32 to vector<256x1xf32>
    %div3A_9 = arith.divf %get3A_6, %div3A_8 : vector<256x1xf32>
    %mul3A = arith.mulf %div3A_3, %div3A_3 : vector<256x1xf32>
    %sub3A = arith.subf %div3A_9, %mul3A : vector<256x1xf32>
    %get3A_10 = arith.constant 0 : index
    %get3A_11 = arith.constant 0 : index
    %get3A_12 = vector.load %arg6[%get3A_10, %get3A_11] : memref<256x1xf32, #tpu.memory_space<vmem>>, vector<256x1xf32>
    %add3A = arith.constant 9.99999974E-6 : f32
    %add3A_13 = vector.broadcast %add3A : f32 to vector<256x1xf32>
    %add3A_14 = arith.addf %sub3A, %add3A_13 : vector<256x1xf32>
    %rsqrt3A = math.rsqrt %add3A_14 : vector<256x1xf32>
    %mul3A_15 = arith.mulf %get3A_12, %rsqrt3A : vector<256x1xf32>
    %get3A_16 = arith.constant 0 : index
    %get3A_17 = arith.constant 0 : index
    %get3A_18 = arith.constant 0 : index
    %get3A_19 = vector.load %arg2[%get3A_16, %get3A_17, %get3A_18] : memref<1x256x512xf32, #tpu.memory_space<vmem>>, vector<1x256x512xf32>
    %get3A_20 = vector.shape_cast %get3A_19 : vector<1x256x512xf32> to vector<256x512xf32>
    %sub3A_21 = vector.broadcast %div3A_3 : vector<256x1xf32> to vector<256x512xf32>
    %sub3A_22 = arith.subf %get3A_20, %sub3A_21 : vector<256x512xf32>
    %mul3A_23 = vector.broadcast %mul3A_15 : vector<256x1xf32> to vector<256x512xf32>
    %mul3A_24 = arith.mulf %sub3A_22, %mul3A_23 : vector<256x512xf32>
    %get3A_25 = arith.constant 0 : index
    %get3A_26 = arith.constant 0 : index
    %get3A_27 = vector.load %arg7[%get3A_25, %get3A_26] : memref<256x1xf32, #tpu.memory_space<vmem>>, vector<256x1xf32>
    %add3A_28 = vector.broadcast %get3A_27 : vector<256x1xf32> to vector<256x512xf32>
    %add3A_29 = arith.addf %mul3A_24, %add3A_28 : vector<256x512xf32>
    %max3A = arith.constant 0.000000e+00 : f32
    %max3A_30 = vector.broadcast %max3A : f32 to vector<256x512xf32>
    %max3A_31 = arith.maximumf %add3A_29, %max3A_30 : vector<256x512xf32>
    %get3A_32 = arith.constant 0 : index
    %get3A_33 = arith.constant 0 : index
    %get3A_34 = vector.load %arg4[%get3A_32, %get3A_33] : memref<128x256xf32, #tpu.memory_space<vmem>>, vector<128x256xf32>
    %dot_general3A = arith.constant dense<0.000000e+00> : vector<128x512xf32>
    %dot_general3A_35 = tpu.matmul %get3A_34, %max3A_31, %dot_general3A {dimension_numbers = #tpu.dot_dimension_numbers<[1], [0], [0], [1], [0, 0, 1, 1], [], []>, transpose_lhs_hint = false} : vector<128x256xf32>, vector<256x512xf32>, vector<128x512xf32> -> vector<128x512xf32>
    %get3A_36 = arith.constant 0 : index
    %get3A_37 = arith.constant 0 : index
    %get3A_38 = vector.load %arg5[%get3A_36, %get3A_37] : memref<128x1xf32, #tpu.memory_space<vmem>>, vector<128x1xf32>
    %add3A_39 = vector.broadcast %get3A_38 : vector<128x1xf32> to vector<128x512xf32>
    %add3A_40 = arith.addf %dot_general3A_35, %add3A_39 : vector<128x512xf32>
    %swap3A = arith.constant 0 : index
    %swap3A_41 = arith.constant 0 : index
    %swap3A_42 = arith.constant 0 : index
    %swap3A_43 = vector.load %arg8[%swap3A, %swap3A_41, %swap3A_42] : memref<1x128x512xf32, #tpu.memory_space<vmem>>, vector<1x128x512xf32>
    %swap3A_44 = vector.shape_cast %swap3A_43 : vector<1x128x512xf32> to vector<128x512xf32>
    %swap3A_45 = vector.shape_cast %add3A_40 : vector<128x512xf32> to vector<1x128x512xf32>
    tpu.vector_store %arg8[%swap3A, %swap3A_41, %swap3A_42], %swap3A_45 {strides = array<i32>} : memref<1x128x512xf32, #tpu.memory_space<vmem>>, vector<1x128x512xf32>,
    %eq3A = arith.constant 0 : i32
    %eq3A_46 = arith.cmpi eq, %arg0, %eq3A : i32
    %eq3A_47 = arith.constant 0 : i32
    %eq3A_48 = arith.cmpi eq, %arg1, %eq3A_47 : i32
    %and3A = arith.andi %eq3A_46, %eq3A_48 : i1
    %convert_element_type3A = arith.extui %and3A : i1 to i32
    %cond3A = arith.constant 0 : i32
    %cond3A_49 = arith.cmpi ne, %convert_element_type3A, %cond3A : i32
    scf.if %cond3A_49 {
      %broadcast_in_dim3A_69 = arith.constant 0.000000e+00 : f32
      %broadcast_in_dim3A_70 = vector.broadcast %broadcast_in_dim3A_69 : f32 to vector<128x2xf32>
      %swap3A_71 = arith.constant 0 : index
      %swap3A_72 = arith.constant 0 : index
      %swap3A_73 = vector.load %arg9[%swap3A_71, %swap3A_72] : memref<128x2xf32, #tpu.memory_space<vmem>>, vector<128x2xf32>
      tpu.vector_store %arg9[%swap3A_71, %swap3A_72], %broadcast_in_dim3A_70 {strides = array<i32>} : memref<128x2xf32, #tpu.memory_space<vmem>>, vector<128x2xf32>,
    } else {
    }
    %get3A_50 = arith.constant 0 : index
    %get3A_51 = arith.constant 0 : index
    %get3A_52 = vector.load %arg9[%get3A_50, %get3A_51] : memref<128x2xf32, #tpu.memory_space<vmem>>, vector<128x1xf32>
    %reduce_sum3A = arith.constant dense<0.000000e+00> : vector<128xf32>
    %reduce_sum3A_53 = vector.multi_reduction <add>, %add3A_40, %reduce_sum3A [1] : vector<128x512xf32> to vector<128xf32>
    %broadcast_in_dim3A = vector.shape_cast %reduce_sum3A_53 : vector<128xf32> to vector<128x1xf32>
    %add3A_54 = arith.addf %get3A_52, %broadcast_in_dim3A : vector<128x1xf32>
    %swap3A_55 = arith.constant 0 : index
    %swap3A_56 = arith.constant 0 : index
    %swap3A_57 = vector.load %arg9[%swap3A_55, %swap3A_56] : memref<128x2xf32, #tpu.memory_space<vmem>>, vector<128x1xf32>
    tpu.vector_store %arg9[%swap3A_55, %swap3A_56], %add3A_54 {strides = array<i32>} : memref<128x2xf32, #tpu.memory_space<vmem>>, vector<128x1xf32>,
    %get3A_58 = arith.constant 0 : index
    %get3A_59 = arith.constant 1 : index
    %get3A_60 = vector.load %arg9[%get3A_58, %get3A_59] : memref<128x2xf32, #tpu.memory_space<vmem>>, vector<128x1xf32>
    %mul3A_61 = arith.mulf %add3A_40, %add3A_40 : vector<128x512xf32>
    %reduce_sum3A_62 = arith.constant dense<0.000000e+00> : vector<128xf32>
    %reduce_sum3A_63 = vector.multi_reduction <add>, %mul3A_61, %reduce_sum3A_62 [1] : vector<128x512xf32> to vector<128xf32>
    %broadcast_in_dim3A_64 = vector.shape_cast %reduce_sum3A_63 : vector<128xf32> to vector<128x1xf32>
    %add3A_65 = arith.addf %get3A_60, %broadcast_in_dim3A_64 : vector<128x1xf32>
    %swap3A_66 = arith.constant 0 : index
    %swap3A_67 = arith.constant 1 : index
    %swap3A_68 = vector.load %arg9[%swap3A_66, %swap3A_67] : memref<128x2xf32, #tpu.memory_space<vmem>>, vector<128x1xf32>
    tpu.vector_store %arg9[%swap3A_66, %swap3A_67], %add3A_65 {strides = array<i32>} : memref<128x2xf32, #tpu.memory_space<vmem>>, vector<128x1xf32>,
    return
  }
  func.func @transform_0(%arg0: i32, %arg1: i32) -> (i32, i32, i32) {
    %c0_i32 = arith.constant 0 : i32
    %c0_i32_0 = arith.constant 0 : i32
    return %arg0, %c0_i32, %arg1 : i32, i32, i32
  }
  func.func @transform_1(%arg0: i32, %arg1: i32) -> (i32, i32) {
    %c0_i32 = arith.constant 0 : i32
    %c0_i32_0 = arith.constant 0 : i32
    %c0_i32_1 = arith.constant 0 : i32
    return %c0_i32, %c0_i32_0 : i32, i32
  }
  func.func @transform_2(%arg0: i32, %arg1: i32) -> (i32, i32) {
    %c0_i32 = arith.constant 0 : i32
    %c0_i32_0 = arith.constant 0 : i32
    %c0_i32_1 = arith.constant 0 : i32
    return %c0_i32, %c0_i32_0 : i32, i32
  }
  func.func @transform_3(%arg0: i32, %arg1: i32) -> (i32, i32) {
    %c0_i32 = arith.constant 0 : i32
    %c0_i32_0 = arith.constant 0 : i32
    %c0_i32_1 = arith.constant 0 : i32
    return %c0_i32, %c0_i32_0 : i32, i32
  }
  func.func @transform_4(%arg0: i32, %arg1: i32) -> (i32, i32) {
    %c0_i32 = arith.constant 0 : i32
    %c0_i32_0 = arith.constant 0 : i32
    %c0_i32_1 = arith.constant 0 : i32
    return %c0_i32, %c0_i32_0 : i32, i32
  }
  func.func @transform_5(%arg0: i32, %arg1: i32) -> (i32, i32) {
    %c0_i32 = arith.constant 0 : i32
    %c0_i32_0 = arith.constant 0 : i32
    %c0_i32_1 = arith.constant 0 : i32
    return %c0_i32, %c0_i32_0 : i32, i32
  }
  func.func @transform_6(%arg0: i32, %arg1: i32) -> (i32, i32, i32) {
    %c0_i32 = arith.constant 0 : i32
    %c0_i32_0 = arith.constant 0 : i32
    return %arg0, %c0_i32, %arg1 : i32, i32, i32
  }
  func.func @transform_7(%arg0: i32, %arg1: i32) -> (i32, i32) {
    %c0_i32 = arith.constant 0 : i32
    %c0_i32_0 = arith.constant 0 : i32
    %c0_i32_1 = arith.constant 0 : i32
    return %c0_i32, %c0_i32_0 : i32, i32
  }
}

module attributes {stable_mosaic.version = 14 : i64} {
  func.func @_bn2_body(%arg0: i32, %arg1: i32, %arg2: memref<1x128x512xf32, #tpu.memory_space<vmem>>, %arg3: memref<128x2xf32, #tpu.memory_space<vmem>>, %arg4: memref<128x1xf32, #tpu.memory_space<vmem>>, %arg5: memref<128x1xf32, #tpu.memory_space<vmem>>, %arg6: memref<1x128x512xf32, #tpu.memory_space<vmem>>) attributes {dimension_semantics = [#tpu.dimension_semantics<arbitrary>, #tpu.dimension_semantics<arbitrary>], iteration_bounds = array<i64: 4, 16>, scalar_prefetch = 0 : i64, scratch_operands = 0 : i64, tpu.core_type = #tpu.core_type<tc>, window_params = [{transform_indices = @transform_0, window_bounds = array<i64: 1, 128, 512>}, {pipeline_mode = #tpu.pipeline_mode<synchronous>, transform_indices = @transform_1, window_bounds = array<i64: 128, 2>}, {pipeline_mode = #tpu.pipeline_mode<synchronous>, transform_indices = @transform_2, window_bounds = array<i64: 128, 1>}, {pipeline_mode = #tpu.pipeline_mode<synchronous>, transform_indices = @transform_3, window_bounds = array<i64: 128, 1>}, {transform_indices = @transform_4, window_bounds = array<i64: 1, 128, 512>}]} {
    %get3A = arith.constant 0 : index
    %get3A_0 = arith.constant 0 : index
    %get3A_1 = vector.load %arg3[%get3A, %get3A_0] : memref<128x2xf32, #tpu.memory_space<vmem>>, vector<128x1xf32>
    %div3A = arith.constant 3.276800e+04 : f32
    %div3A_2 = vector.broadcast %div3A : f32 to vector<128x1xf32>
    %div3A_3 = arith.divf %get3A_1, %div3A_2 : vector<128x1xf32>
    %get3A_4 = arith.constant 0 : index
    %get3A_5 = arith.constant 1 : index
    %get3A_6 = vector.load %arg3[%get3A_4, %get3A_5] : memref<128x2xf32, #tpu.memory_space<vmem>>, vector<128x1xf32>
    %div3A_7 = arith.constant 3.276800e+04 : f32
    %div3A_8 = vector.broadcast %div3A_7 : f32 to vector<128x1xf32>
    %div3A_9 = arith.divf %get3A_6, %div3A_8 : vector<128x1xf32>
    %mul3A = arith.mulf %div3A_3, %div3A_3 : vector<128x1xf32>
    %sub3A = arith.subf %div3A_9, %mul3A : vector<128x1xf32>
    %get3A_10 = arith.constant 0 : index
    %get3A_11 = arith.constant 0 : index
    %get3A_12 = vector.load %arg4[%get3A_10, %get3A_11] : memref<128x1xf32, #tpu.memory_space<vmem>>, vector<128x1xf32>
    %add3A = arith.constant 9.99999974E-6 : f32
    %add3A_13 = vector.broadcast %add3A : f32 to vector<128x1xf32>
    %add3A_14 = arith.addf %sub3A, %add3A_13 : vector<128x1xf32>
    %rsqrt3A = math.rsqrt %add3A_14 : vector<128x1xf32>
    %mul3A_15 = arith.mulf %get3A_12, %rsqrt3A : vector<128x1xf32>
    %get3A_16 = arith.constant 0 : index
    %get3A_17 = arith.constant 0 : index
    %get3A_18 = arith.constant 0 : index
    %get3A_19 = vector.load %arg2[%get3A_16, %get3A_17, %get3A_18] : memref<1x128x512xf32, #tpu.memory_space<vmem>>, vector<1x128x512xf32>
    %get3A_20 = vector.shape_cast %get3A_19 : vector<1x128x512xf32> to vector<128x512xf32>
    %sub3A_21 = vector.broadcast %div3A_3 : vector<128x1xf32> to vector<128x512xf32>
    %sub3A_22 = arith.subf %get3A_20, %sub3A_21 : vector<128x512xf32>
    %mul3A_23 = vector.broadcast %mul3A_15 : vector<128x1xf32> to vector<128x512xf32>
    %mul3A_24 = arith.mulf %sub3A_22, %mul3A_23 : vector<128x512xf32>
    %get3A_25 = arith.constant 0 : index
    %get3A_26 = arith.constant 0 : index
    %get3A_27 = vector.load %arg5[%get3A_25, %get3A_26] : memref<128x1xf32, #tpu.memory_space<vmem>>, vector<128x1xf32>
    %add3A_28 = vector.broadcast %get3A_27 : vector<128x1xf32> to vector<128x512xf32>
    %add3A_29 = arith.addf %mul3A_24, %add3A_28 : vector<128x512xf32>
    %max3A = arith.constant 0.000000e+00 : f32
    %max3A_30 = vector.broadcast %max3A : f32 to vector<128x512xf32>
    %max3A_31 = arith.maximumf %add3A_29, %max3A_30 : vector<128x512xf32>
    %swap3A = arith.constant 0 : index
    %swap3A_32 = arith.constant 0 : index
    %swap3A_33 = arith.constant 0 : index
    %swap3A_34 = vector.load %arg6[%swap3A, %swap3A_32, %swap3A_33] : memref<1x128x512xf32, #tpu.memory_space<vmem>>, vector<1x128x512xf32>
    %swap3A_35 = vector.shape_cast %swap3A_34 : vector<1x128x512xf32> to vector<128x512xf32>
    %swap3A_36 = vector.shape_cast %max3A_31 : vector<128x512xf32> to vector<1x128x512xf32>
    tpu.vector_store %arg6[%swap3A, %swap3A_32, %swap3A_33], %swap3A_36 {strides = array<i32>} : memref<1x128x512xf32, #tpu.memory_space<vmem>>, vector<1x128x512xf32>,
    return
  }
  func.func @transform_0(%arg0: i32, %arg1: i32) -> (i32, i32, i32) {
    %c0_i32 = arith.constant 0 : i32
    %c0_i32_0 = arith.constant 0 : i32
    return %arg0, %c0_i32, %arg1 : i32, i32, i32
  }
  func.func @transform_1(%arg0: i32, %arg1: i32) -> (i32, i32) {
    %c0_i32 = arith.constant 0 : i32
    %c0_i32_0 = arith.constant 0 : i32
    %c0_i32_1 = arith.constant 0 : i32
    return %c0_i32, %c0_i32_0 : i32, i32
  }
  func.func @transform_2(%arg0: i32, %arg1: i32) -> (i32, i32) {
    %c0_i32 = arith.constant 0 : i32
    %c0_i32_0 = arith.constant 0 : i32
    %c0_i32_1 = arith.constant 0 : i32
    return %c0_i32, %c0_i32_0 : i32, i32
  }
  func.func @transform_3(%arg0: i32, %arg1: i32) -> (i32, i32) {
    %c0_i32 = arith.constant 0 : i32
    %c0_i32_0 = arith.constant 0 : i32
    %c0_i32_1 = arith.constant 0 : i32
    return %c0_i32, %c0_i32_0 : i32, i32
  }
  func.func @transform_4(%arg0: i32, %arg1: i32) -> (i32, i32, i32) {
    %c0_i32 = arith.constant 0 : i32
    %c0_i32_0 = arith.constant 0 : i32
    return %arg0, %c0_i32, %arg1 : i32, i32, i32
  }
}

</mosaic_0001>

<sc_bundles>
// kernel: kernel.7.cloned.1.call-start
scs
__scs_entry_jumppad:
0x0: {  	(pc) =	sbr.rel $0x88, $3  }
0x1: {  	(tag) =	ssettag $0x0;
	lr =	simm.s32 $0x1  }
0x2: {  	[smem:$0x3F95] =	sst lr;
	_ =	strace $0xD0000000  }
0x3: {  	_ = 	snop  }
0x4: {  	_ = 	snop  }
0x5: {  	_ = 	snop  }
0x6: {  	_ = 	snop  }
0x7: {  	_ = 	snop  }
__scs_overlays_trampoline_lowered:
0x8: {  	[smem:$0x3FA4] =	sst s0  }
0x9: {  	[smem:$0x3FA5] =	sst s1  }
0xa: {  	[smem:$0x3FA6] =	sst s2  }
0xb: {  	[smem:$0x3FA7] =	sst s3  }
0xc: {  	[smem:$0x3FA8] =	sst s4  }
0xd: {  	[smem:$0x3FA9] =	sst s5  }
0xe: {  	[smem:$0x3FAA] =	sst s6  }
0xf: {  	[smem:$0x3FAB] =	sst s7  }
0x10: {  	[smem:$0x3FAC] =	sst s8  }
0x11: {  	[smem:$0x3FAD] =	sst s9;
	s0 =	simm.s32 @!p0 $0x0  }
0x12: {  	s1 =	sld [smem:$0x3F93];
	s0 =	simm.s32 @p0 $0x1  }
0x13: {  	[smem:$0x3FAE] =	sst s0;
	s0 =	simm.s32 @!p1 $0x0  }
0x14: {  	s2 =	sld [smem:$0x3F92];
	s0 =	simm.s32 @p1 $0x1  }
0x15: {  	[smem:$0x3FAF] =	sst s0;
	s0 =	simm.s32 @!p2 $0x0  }
0x16: {  	s3 =	sld [smem:$0x3FDB];
	s0 =	simm.s32 @p2 $0x1  }
0x17: {  	s4 =	simm.s32 $0x1BF5;
	[smem:$0x3FB1] =	sst s0  }
0x18: {  	s0 =	sld [smem:$0x3F94];
	_ =	swait.ge [sflag:s4], $0x0  }
0x19: {  	s7 =	sld [smem:$0x3F95]  }
0x1a: {  	s8 =	sadd.s32 $0xFFFFE003, lr  }
0x1b: {  	s9 =	sadd.s32 $0xFFFFFEF7, lr;
	s5 =	simm.s32 $0xFFFFFFFF;
	p2 =	slt.u32 s8, $0xFFFFF086  }
0x1c: {  	p1 =	slt.u32 s9, $0xF7A;
	s5 =	simm.s32 @!p2 $0x0  }
0x1d: {  	s5 =	simm.s32 @p1 $0x1;
	p0 =	seq.s32 s7, s2  }
0x1e: {  	s7 =	smul.u32 @!p0 $0xF7A, s2;
	p2 =	seq.s32 @!p0 s5, $0x0  }
0x1f: {  	s9 =	smul.u32 $0xF7A, s1;
	s8 =	simm.s32 @!p0 $0x1BF5;
	p2 =	por !p2, p0  }
0x20: {  	[sflag:s8] =	ssyncset.s32 @!p0 $0xFFFFF086;
	s6 =	sadd.s32 @!p0 s3, s7;
	s7 =	simm.s32 @!p0 $0x108  }
0x21: {  	s3 =	sadd.s32 s3, s9;
	s6 =	sadd.s32 @!p0 $0x88, s6;
	s7 =	simm.s32 @p2 $0x1082  }
0x22: {  	[simem:s7], [sflag:s8] =	dma.local @!p0 [hbm:s6], $0xF7A  }
0x23: {  	s9 =	sor.u32 $0xD0000000, s2;
	s6 =	simm.s32 $0x108;
	_ =	swait.ge @!p0 [sflag:s8], $0x0  }
0x24: {  	s3 =	sadd.s32 $0x88, s3;
	s6 =	simm.s32 @!p1 $0x1082;
	[sflag:s4] =	ssyncset.s32 $0xFFFFF086  }
0x25: {  	[simem:s6], [sflag:s4] =	dma.local [hbm:s3], $0xF7A  }
0x26: {  	[smem:$0x3F95] =	sst s1;
	(tag) =	ssettag s2;
	_ =	strace s9  }
0x27: {  	s1 =	sld [smem:$0x3FA5]  }
0x28: {  	s2 =	sld [smem:$0x3FA6]  }
0x29: {  	s4 =	sld [smem:$0x3FA8]  }
0x2a: {  	p0 =	seq.s32 s5, $0x0;
	s5 =	sld [smem:$0x3FA9]  }
0x2b: {  	s6 =	sld [smem:$0x3FAA]  }
0x2c: {  	s7 =	sld [smem:$0x3FAB]  }
0x2d: {  	s3 =	simm.s32 $0x108;
	s8 =	sld [smem:$0x3FAC]  }
0x2e: {  	s3 =	simm.s32 @!p0 $0x1082;
	s9 =	sld [smem:$0x3FAD]  }
0x2f: {  	lr =	sadd.s32 s0, s3;
	s0 =	sld [smem:$0x3FA4]  }
0x30: {  	s3 =	sld [smem:$0x3FA7]  }
0x31: {  	[smem:$0x3FB0] =	sst s10  }
0x32: {  	s10 =	sld [smem:$0x3FAE];
	_ =	sdelay $0x3  }
0x33: {  	p0 =	seq.s32 s10, $0x1;
	s10 =	sld [smem:$0x3FB0];
	_ =	sdelay $0x3  }
0x34: {  	[smem:$0x3FB0] =	sst s10  }
0x35: {  	s10 =	sld [smem:$0x3FAF];
	_ =	sdelay $0x3  }
0x36: {  	p1 =	seq.s32 s10, $0x1;
	s10 =	sld [smem:$0x3FB0];
	_ =	sdelay $0x3  }
0x37: {  	[smem:$0x3FB0] =	sst s10  }
0x38: {  	s10 =	sld [smem:$0x3FB1]  }
0x39: {  	_ = 	snop;
	(pc) =	sbr.ind lr, $3  }
0x3a: {  	_ = 	snop  }
0x3b: {  	_ = 	snop  }
0x3c: {  	p2 =	seq.s32 s10, $0x1;
	s10 =	sld [smem:$0x3FB0]  }
0x3d: {  	_ =	shalt  }
0x3e: {  	_ =	shalt  }
0x3f: {  	_ =	shalt  }
0x40: {  	_ =	shalt  }
0x41: {  	_ =	shalt  }
0x42: {  	_ =	shalt  }
0x43: {  	_ =	shalt  }
0x44: {  	_ =	shalt  }
0x45: {  	_ =	shalt  }
0x46: {  	_ =	shalt  }
0x47: {  	_ =	shalt  }
0x48: {  	_ =	shalt  }
0x49: {  	_ =	shalt  }
0x4a: {  	_ =	shalt  }
0x4b: {  	_ =	shalt  }
0x4c: {  	_ =	shalt  }
0x4d: {  	_ =	shalt  }
0x4e: {  	_ =	shalt  }
0x4f: {  	_ =	shalt  }
0x50: {  	_ =	shalt  }
0x51: {  	_ =	shalt  }
0x52: {  	_ =	shalt  }
0x53: {  	_ =	shalt  }
0x54: {  	_ =	shalt  }
0x55: {  	_ =	shalt  }
0x56: {  	_ =	shalt  }
0x57: {  	_ =	shalt  }
0x58: {  	_ =	shalt  }
0x59: {  	_ =	shalt  }
0x5a: {  	_ =	shalt  }
0x5b: {  	_ =	shalt  }
0x5c: {  	_ =	shalt  }
0x5d: {  	_ =	shalt  }
0x5e: {  	_ =	shalt  }
0x5f: {  	_ =	shalt  }
0x60: {  	_ =	shalt  }
0x61: {  	_ =	shalt  }
0x62: {  	_ =	shalt  }
0x63: {  	_ =	shalt  }
0x64: {  	_ =	shalt  }
0x65: {  	_ =	shalt  }
0x66: {  	_ =	shalt  }
0x67: {  	_ =	shalt  }
0x68: {  	_ =	shalt  }
0x69: {  	_ =	shalt  }
0x6a: {  	_ =	shalt  }
0x6b: {  	_ =	shalt  }
0x6c: {  	_ =	shalt  }
0x6d: {  	_ =	shalt  }
0x6e: {  	_ =	shalt  }
0x6f: {  	_ =	shalt  }
0x70: {  	_ =	shalt  }
0x71: {  	_ =	shalt  }
0x72: {  	_ =	shalt  }
0x73: {  	_ =	shalt  }
0x74: {  	_ =	shalt  }
0x75: {  	_ =	shalt  }
0x76: {  	_ =	shalt  }
0x77: {  	_ =	shalt  }
0x78: {  	_ =	shalt  }
0x79: {  	_ =	shalt  }
0x7a: {  	_ =	shalt  }
0x7b: {  	_ =	shalt  }
0x7c: {  	_ =	shalt  }
0x7d: {  	_ =	shalt  }
0x7e: {  	_ =	shalt  }
0x7f: {  	_ =	shalt  }
0x80: {  	_ =	shalt  }
0x81: {  	_ =	shalt  }
0x82: {  	_ =	shalt  }
0x83: {  	_ =	shalt  }
0x84: {  	_ =	shalt  }
0x85: {  	_ =	shalt  }
0x86: {  	_ =	shalt  }
0x87: {  	_ =	shalt  }
.Lfunc_end0:
.L_simem_size_0:
called_computation_lowered:
.L_overlay_start_0:
0x88: {  	s2 =	sld [smem:$0x3FD9]  }
0x89: {  	s3 =	sld [smem:$0x3FFE];
	_ =	sdelay $0x1  }
0x8a: {  	s1 =	srdreg.scid  }
0x8b: {  	s0 =	sand.u32 $0x1, s1  }
0x8c: {  	s16 =	sshll.u32 s0, $0xA;
	s2 =	sadd.s32 s3, s2  }
0x8d: {  	s2 =	sadd.s32 s2, s16  }
0x8e: {  	[smem:$0x3FBC] =	sst s2  }
0x8f: {  	_ = 	snop  }
0x90: {  	(tm) =	ssettm $0x1  }
0x91: {  	s17 =	sld [smem:$0x3FFB];
	_ =	sdelay $0x3  }
0x92: {  	_ =	strace s17  }
0x93: {  	s2 =	sld [smem:$0x3FFC];
	_ =	sdelay $0x3  }
0x94: {  	_ =	strace s2  }
0x95: {  	s2 =	sld [smem:$0x3FFD];
	_ =	sdelay $0x3  }
0x96: {  	_ =	strace s2  }
0x97: {  	_ =	strace $0x8FFFFFFF  }
0x98: {  	s18 =	sld [smem:$0x3FDB];
	_ =	sdelay $0x1  }
0x99: {  	s19 =	simm.s32 $_scs_section_size  }
0x9a: {  	s4 =	simm.s32 $_size__tile_overlayer_lowered;
	s5 =	simm.s32 $_tile_overlayer_lowered  }
0x9b: {  	s22 =	simm.s32 $0x1BFF;
	s21 =	sshll.u32 s5, $0x1;
	s2 =	sadd.s32 s19, s18  }
0x9c: {  	s6 =	simm.s32 $0x0;
	s20 =	sshll.u32 s4, $0x1;
	s4 =	sadd.s32 s21, s2  }
0x9d: {  	[timem:s6], [sflag:s22] =	dma.local [hbm:s4], s20  }
0x9e: {  	_ =	swait.ge [sflag:s22], s20  }
0x9f: {  	s3 =	ssub.s32 $0x0, s20;
	[sflag:s22] =	ssyncset.done $0x0  }
0xa0: {  	[sflag:s22] =	ssyncadd.s32 s3;
	_ =	sdelay $0x1  }
0xa1: {  	s23 =	simm.s32 $0x1B8B  }
0xa2: {  	_ =	swait.ge [sflag:s23], $0x1  }
0xa3: {  	[sflag:s23] =	ssyncset.done $0x0  }
0xa4: {  	s25 =	simm.s32 $0x1B8E;
	s24 =	sld [smem:$0x3FFE];
	[sflag:s23] =	ssyncadd.s32 $0xFFFFFFFF  }
0xa5: {  	s26 =	simm.s32 $execute0_lowered;
	[smem:$0x3FD2] =	sst s25  }
0xa6: {  	s4 =	sshll.u32 s26, $0x1;
	_ =	strace $0x80000046;
	[dreg:$0x1] =	wrdreg $0xFFFFFFFF  }
0xa7: {  	s28 =	simm.s32 $_size_execute0_lowered;
	s2 =	sadd.s32 s2, s4;
	[dreg:$0x0] =	wrdreg $0x0  }
0xa8: {  	s4 =	sshll.u32 s28, $0x1;
	[dreg:$0x2] =	wrdreg s2  }
0xa9: {  	[dreg:$0x3] =	wrdreg s4  }
0xaa: {  	[dreg:$0x4] =	wrdreg $0xC0  }
0xab: {  	_ =	task [dreg:s6], $0x5FFFF  }
0xac: {  	[dreg:$0x1] =	wrdreg $0xFFFFFFFF  }
0xad: {  	[dreg:$0x0] =	wrdreg $0x60  }
0xae: {  	[dreg:$0x2] =	wrdreg s24  }
0xaf: {  	[dreg:$0x3] =	wrdreg $0x9  }
0xb0: {  	_ =	task.clear_ibuf [dreg:s6], $0x4FFFF;
	_ =	strace $0x90000046  }
0xb1: {  	s29 =	simm.s32 $0x9;
	_ =	strace $0x80000048  }
0xb2: {  	_ =	swait.ge [sflag:s29], $0x1  }
0xb3: {  	[sflag:s29] =	ssyncadd.s32 $0xFFFFFFFF  }
0xb4: {  	_ =	strace $0x90000048  }
0xb5: {  	_ =	sfence  }
0xb6: {  	s30 =	sld [smem:$0x0];
	_ =	sdelay $0x2  }
0xb7: {  	s31 =	sshll.u32 s1, $0xD;
	s1 =	sshrl.u32 s1, $0x2  }
0xb8: {  	s3 =	sand.u32 $0x4000, s31;
	s1 =	sadd.s32 s1, s30  }
0xb9: {  	s0 =	sor.u32 s3, s0;
	s1 =	sshll.u32 s1, $0x11  }
0xba: {  	s0 =	sor.u32 s1, s0  }
0xbb: {  	s0 =	sadd.s32 $0x8F2B, s0  }
0xbc: {  	[sflag:s0] =	ssyncadd.remote.s32 $0x1  }
0xbd: {  	_ =	sfence.sel $0xFFFF  }
0xbe: {  	[dreg:$0x0] =	wrdreg $0xFFFFFFFF;
	(pc) =	sbr.abs _section_cstart, $3  }
0xbf: {  	[dreg:$0x1] =	wrdreg $0xFFFFFFFF  }
0xc0: {  	_ =	task.clear_ibuf [dreg:s6], $0x2FFFF;
	_ =	strace $0x9FFFFFFF  }
0xc1: {  	(tm) =	ssettm $0x7FFFFFFF  }
tec
execute0_lowered:
.L_overlay_start_1:
0x0: {  	(tag) =	ssettag $0x1  }
0x1: {  	s1 =	srdreg.scid;
	s0 =	stileid.u32  }
0x2: {  	s18 =	sand.u32 $0x1, s1;
	s26 =	sshll.u32 s0, $0x1  }
0x3: {  	s8 =	sor.u32 s18, s26  }
0x4: {  	s9 =	rddreg [dreg:$0x0];
	s19 =	smul.u32 $0xC00, s8  }
0x5: {  	s2 =	simm.s32 $0x0;
	s1 =	rddreg [dreg:$0x1]  }
0x6: {  	[smem:$0x7FF] =	sst s2;
	s17 =	sadd.s32 $0x3200, s9;
	s3 =	sshrl.u32 s19, $0x3  }
0x7: {  	_ =	strace $0x80000047;
	s4 =	sadd.s32 s17, s3;
	s3 =	simm.s32 $0x2  }
0x8: {  	[tilespmem:s2], [sflag:$0x2] =	stream.linear.gather [hbm4b:s4+s2], $0x200, $0x38;
	[tilespmem:$0x10200] =	vst v63  }
0x9: {  	_ =	swait.ge [sflag:s3], $0x200  }
0xa: {  	s6 =	simm.s32 $0x200;
	[sflag:s3] =	ssyncset.done $0x0  }
0xb: {  	s7 =	simm.s32 $0x1;
	s5 =	sadd.s32 $0x6200, s9;
	[sflag:s3] =	ssyncadd.s32 $0xFFFFFE00  }
0xc: {  	[tilespmem:s6], [sflag:$0x1] =	stream.indirect.gather [hbm4b:s5+s6], $0x80, s2, s6, $0xb8;
	[tilespmem:$0x10200] =	vst v63  }
0xd: {  	s8 =	smul.u32 $0xC000, s8;
	_ =	swait.ge [sflag:s7], $0x10000  }
0xe: {  	s20 =	sadd.s32 $0x26200, s9;
	[sflag:s7] =	ssyncset.done $0x0  }
0xf: {  	s8 =	sadd.s32 s20, s8;
	[sflag:s7] =	ssyncadd.s32 $0xFFFF0000  }
0x10: {  	[hbm4b:s8+s2] =	stream.linear.scatter [tilespmem:s6], [sflag:$0x2], $0x10000, $0x38;
	[tilespmem:$0x10200] =	vst v63  }
0x11: {  	s10 =	sor.u32 $0x200, s19;
	_ =	swait.ge [sflag:s3], $0x10000  }
0x12: {  	s28 =	sshrl.u32 s10, $0x3;
	[sflag:s3] =	ssyncset.done $0x0  }
0x13: {  	s9 =	sadd.s32 s17, s28;
	[sflag:s3] =	ssyncadd.s32 $0xFFFF0000  }
0x14: {  	[tilespmem:s2], [sflag:$0x2] =	stream.linear.gather [hbm4b:s9+s2], $0x200, $0x38;
	[tilespmem:$0x10200] =	vst v63  }
0x15: {  	_ =	swait.ge [sflag:s3], $0x200  }
0x16: {  	[sflag:s3] =	ssyncset.done $0x0  }
0x17: {  	[sflag:s3] =	ssyncadd.s32 $0xFFFFFE00  }
0x18: {  	[tilespmem:s6], [sflag:$0x1] =	stream.indirect.gather [hbm4b:s5+s6], $0x80, s2, s6, $0xb8;
	[tilespmem:$0x10200] =	vst v63  }
0x19: {  	_ =	swait.ge [sflag:s7], $0x10000  }
0x1a: {  	s10 =	sshll.u32 s10, $0x4;
	[sflag:s7] =	ssyncset.done $0x0  }
0x1b: {  	s10 =	sadd.s32 s20, s10;
	[sflag:s7] =	ssyncadd.s32 $0xFFFF0000  }
0x1c: {  	[hbm4b:s10+s2] =	stream.linear.scatter [tilespmem:s6], [sflag:$0x2], $0x10000, $0x38;
	[tilespmem:$0x10200] =	vst v63  }
0x1d: {  	s12 =	sadd.s32 $0x400, s19;
	_ =	swait.ge [sflag:s3], $0x10000  }
0x1e: {  	s11 =	sshrl.u32 s12, $0x3;
	[sflag:s3] =	ssyncset.done $0x0  }
0x1f: {  	s11 =	sadd.s32 s17, s11;
	[sflag:s3] =	ssyncadd.s32 $0xFFFF0000  }
0x20: {  	[tilespmem:s2], [sflag:$0x2] =	stream.linear.gather [hbm4b:s11+s2], $0x200, $0x38;
	[tilespmem:$0x10200] =	vst v63  }
0x21: {  	_ =	swait.ge [sflag:s3], $0x200  }
0x22: {  	[sflag:s3] =	ssyncset.done $0x0  }
0x23: {  	[sflag:s3] =	ssyncadd.s32 $0xFFFFFE00  }
0x24: {  	[tilespmem:s6], [sflag:$0x1] =	stream.indirect.gather [hbm4b:s5+s6], $0x80, s2, s6, $0xb8;
	[tilespmem:$0x10200] =	vst v63  }
0x25: {  	_ =	swait.ge [sflag:s7], $0x10000  }
0x26: {  	s12 =	sshll.u32 s12, $0x4;
	[sflag:s7] =	ssyncset.done $0x0  }
0x27: {  	s12 =	sadd.s32 s20, s12;
	[sflag:s7] =	ssyncadd.s32 $0xFFFF0000  }
0x28: {  	[hbm4b:s12+s2] =	stream.linear.scatter [tilespmem:s6], [sflag:$0x2], $0x10000, $0x38;
	[tilespmem:$0x10200] =	vst v63  }
0x29: {  	s14 =	sadd.s32 $0x600, s19;
	_ =	swait.ge [sflag:s3], $0x10000  }
0x2a: {  	s13 =	sshrl.u32 s14, $0x3;
	[sflag:s3] =	ssyncset.done $0x0  }
0x2b: {  	s13 =	sadd.s32 s17, s13;
	[sflag:s3] =	ssyncadd.s32 $0xFFFF0000  }
0x2c: {  	[tilespmem:s2], [sflag:$0x2] =	stream.linear.gather [hbm4b:s13+s2], $0x200, $0x38;
	[tilespmem:$0x10200] =	vst v63  }
0x2d: {  	_ =	swait.ge [sflag:s3], $0x200  }
0x2e: {  	[sflag:s3] =	ssyncset.done $0x0  }
0x2f: {  	[sflag:s3] =	ssyncadd.s32 $0xFFFFFE00  }
0x30: {  	[tilespmem:s6], [sflag:$0x1] =	stream.indirect.gather [hbm4b:s5+s6], $0x80, s2, s6, $0xb8;
	[tilespmem:$0x10200] =	vst v63  }
0x31: {  	_ =	swait.ge [sflag:s7], $0x10000  }
0x32: {  	s14 =	sshll.u32 s14, $0x4;
	[sflag:s7] =	ssyncset.done $0x0  }
0x33: {  	s14 =	sadd.s32 s20, s14;
	[sflag:s7] =	ssyncadd.s32 $0xFFFF0000  }
0x34: {  	[hbm4b:s14+s2] =	stream.linear.scatter [tilespmem:s6], [sflag:$0x2], $0x10000, $0x38;
	[tilespmem:$0x10200] =	vst v63  }
0x35: {  	s16 =	sadd.s32 $0x800, s19;
	_ =	swait.ge [sflag:s3], $0x10000  }
0x36: {  	s15 =	sshrl.u32 s16, $0x3;
	[sflag:s3] =	ssyncset.done $0x0  }
0x37: {  	s15 =	sadd.s32 s17, s15;
	[sflag:s3] =	ssyncadd.s32 $0xFFFF0000  }
0x38: {  	[tilespmem:s2], [sflag:$0x2] =	stream.linear.gather [hbm4b:s15+s2], $0x200, $0x38;
	[tilespmem:$0x10200] =	vst v63  }
0x39: {  	_ =	swait.ge [sflag:s3], $0x200  }
0x3a: {  	[sflag:s3] =	ssyncset.done $0x0  }
0x3b: {  	[sflag:s3] =	ssyncadd.s32 $0xFFFFFE00  }
0x3c: {  	[tilespmem:s6], [sflag:$0x1] =	stream.indirect.gather [hbm4b:s5+s6], $0x80, s2, s6, $0xb8;
	[tilespmem:$0x10200] =	vst v63  }
0x3d: {  	_ =	swait.ge [sflag:s7], $0x10000  }
0x3e: {  	s16 =	sshll.u32 s16, $0x4;
	[sflag:s7] =	ssyncset.done $0x0  }
0x3f: {  	s16 =	sadd.s32 s20, s16;
	[sflag:s7] =	ssyncadd.s32 $0xFFFF0000  }
0x40: {  	[hbm4b:s16+s2] =	stream.linear.scatter [tilespmem:s6], [sflag:$0x2], $0x10000, $0x38;
	[tilespmem:$0x10200] =	vst v63  }
0x41: {  	s19 =	sadd.s32 $0xA00, s19;
	_ =	swait.ge [sflag:s3], $0x10000  }
0x42: {  	s21 =	sshrl.u32 s19, $0x3;
	[sflag:s3] =	ssyncset.done $0x0  }
0x43: {  	s18 =	ssub.s32 $0x2, s18;
	s17 =	sadd.s32 s17, s21;
	[sflag:s3] =	ssyncadd.s32 $0xFFFF0000  }
0x44: {  	[tilespmem:s2], [sflag:$0x2] =	stream.linear.gather [hbm4b:s17+s2], $0x200, $0x38;
	[tilespmem:$0x10200] =	vst v63  }
0x45: {  	s29 =	sshrl.u32 s18, $0x1;
	_ =	swait.ge [sflag:s3], $0x200  }
0x46: {  	s21 =	ssub.s32 s18, s29;
	[sflag:s3] =	ssyncset.done $0x0  }
0x47: {  	s31 =	smax.u32 s21, $0x1;
	[sflag:s3] =	ssyncadd.s32 $0xFFFFFE00  }
0x48: {  	[tilespmem:s6], [sflag:$0x1] =	stream.indirect.gather [hbm4b:s5+s6], $0x80, s2, s6, $0xb8;
	[tilespmem:$0x10200] =	vst v63  }
0x49: {  	p0 =	sne.s32 s31, $0x1;
	_ =	swait.ge [sflag:s7], $0x10000  }
.Ltmp0:
0x4a: {  	s30 =	sshll.u32 s19, $0x4;
	[sflag:s7] =	ssyncset.done $0x0;
	(pc) =	sbr.rel @!p0 .LBB2_2-.Ltmp0, $4  }
0x4b: {  	s18 =	sadd.s32 s20, s30;
	[sflag:s7] =	ssyncadd.s32 $0xFFFF0000  }
0x4c: {  	[hbm4b:s18+s2] =	stream.linear.scatter [tilespmem:s6], [sflag:$0x2], $0x10000, $0x38;
	[tilespmem:$0x10200] =	vst v63  }
0x4d: {  	_ =	swait.ge [sflag:s3], $0x10000  }
0x4e: {  	s19 =	sadd.s32 $0xFFFFFFFF, s31;
	[sflag:s3] =	ssyncset.done $0x0  }
.LBB2_1:
0x4f: {  	p0 =	sne.s32 s19, $0x1;
	s19 =	sadd.s32 $0xFFFFFFFF, s19;
	[sflag:s3] =	ssyncadd.s32 $0xFFFF0000  }
0x50: {  	[tilespmem:s2], [sflag:$0x2] =	stream.linear.gather [hbm4b:s4+s2], $0x200, $0x38;
	[tilespmem:$0x10200] =	vst v63  }
0x51: {  	_ =	swait.ge [sflag:s3], $0x200  }
0x52: {  	[sflag:s3] =	ssyncset.done $0x0  }
0x53: {  	[sflag:s3] =	ssyncadd.s32 $0xFFFFFE00  }
0x54: {  	[tilespmem:s6], [sflag:$0x1] =	stream.indirect.gather [hbm4b:s5+s6], $0x80, s2, s6, $0xb8;
	[tilespmem:$0x10200] =	vst v63  }
0x55: {  	_ =	swait.ge [sflag:s7], $0x10000  }
0x56: {  	[sflag:s7] =	ssyncset.done $0x0  }
0x57: {  	[sflag:s7] =	ssyncadd.s32 $0xFFFF0000  }
0x58: {  	[hbm4b:s8+s2] =	stream.linear.scatter [tilespmem:s6], [sflag:$0x2], $0x10000, $0x38;
	[tilespmem:$0x10200] =	vst v63  }
0x59: {  	_ =	swait.ge [sflag:s3], $0x10000  }
0x5a: {  	[sflag:s3] =	ssyncset.done $0x0  }
0x5b: {  	[sflag:s3] =	ssyncadd.s32 $0xFFFF0000  }
0x5c: {  	[tilespmem:s2], [sflag:$0x2] =	stream.linear.gather [hbm4b:s9+s2], $0x200, $0x38;
	[tilespmem:$0x10200] =	vst v63  }
0x5d: {  	_ =	swait.ge [sflag:s3], $0x200  }
0x5e: {  	[sflag:s3] =	ssyncset.done $0x0  }
0x5f: {  	[sflag:s3] =	ssyncadd.s32 $0xFFFFFE00  }
0x60: {  	[tilespmem:s6], [sflag:$0x1] =	stream.indirect.gather [hbm4b:s5+s6], $0x80, s2, s6, $0xb8;
	[tilespmem:$0x10200] =	vst v63  }
0x61: {  	_ =	swait.ge [sflag:s7], $0x10000  }
0x62: {  	[sflag:s7] =	ssyncset.done $0x0  }
0x63: {  	[sflag:s7] =	ssyncadd.s32 $0xFFFF0000  }
0x64: {  	[hbm4b:s10+s2] =	stream.linear.scatter [tilespmem:s6], [sflag:$0x2], $0x10000, $0x38;
	[tilespmem:$0x10200] =	vst v63  }
0x65: {  	_ =	swait.ge [sflag:s3], $0x10000  }
0x66: {  	[sflag:s3] =	ssyncset.done $0x0  }
0x67: {  	[sflag:s3] =	ssyncadd.s32 $0xFFFF0000  }
0x68: {  	[tilespmem:s2], [sflag:$0x2] =	stream.linear.gather [hbm4b:s11+s2], $0x200, $0x38;
	[tilespmem:$0x10200] =	vst v63  }
0x69: {  	_ =	swait.ge [sflag:s3], $0x200  }
0x6a: {  	[sflag:s3] =	ssyncset.done $0x0  }
0x6b: {  	[sflag:s3] =	ssyncadd.s32 $0xFFFFFE00  }
0x6c: {  	[tilespmem:s6], [sflag:$0x1] =	stream.indirect.gather [hbm4b:s5+s6], $0x80, s2, s6, $0xb8;
	[tilespmem:$0x10200] =	vst v63  }
0x6d: {  	_ =	swait.ge [sflag:s7], $0x10000  }
0x6e: {  	[sflag:s7] =	ssyncset.done $0x0  }
0x6f: {  	[sflag:s7] =	ssyncadd.s32 $0xFFFF0000  }
0x70: {  	[hbm4b:s12+s2] =	stream.linear.scatter [tilespmem:s6], [sflag:$0x2], $0x10000, $0x38;
	[tilespmem:$0x10200] =	vst v63  }
0x71: {  	_ =	swait.ge [sflag:s3], $0x10000  }
0x72: {  	[sflag:s3] =	ssyncset.done $0x0  }
0x73: {  	[sflag:s3] =	ssyncadd.s32 $0xFFFF0000  }
0x74: {  	[tilespmem:s2], [sflag:$0x2] =	stream.linear.gather [hbm4b:s13+s2], $0x200, $0x38;
	[tilespmem:$0x10200] =	vst v63  }
0x75: {  	_ =	swait.ge [sflag:s3], $0x200  }
0x76: {  	[sflag:s3] =	ssyncset.done $0x0  }
0x77: {  	[sflag:s3] =	ssyncadd.s32 $0xFFFFFE00  }
0x78: {  	[tilespmem:s6], [sflag:$0x1] =	stream.indirect.gather [hbm4b:s5+s6], $0x80, s2, s6, $0xb8;
	[tilespmem:$0x10200] =	vst v63  }
0x79: {  	_ =	swait.ge [sflag:s7], $0x10000  }
0x7a: {  	[sflag:s7] =	ssyncset.done $0x0  }
0x7b: {  	[sflag:s7] =	ssyncadd.s32 $0xFFFF0000  }
0x7c: {  	[hbm4b:s14+s2] =	stream.linear.scatter [tilespmem:s6], [sflag:$0x2], $0x10000, $0x38;
	[tilespmem:$0x10200] =	vst v63  }
0x7d: {  	_ =	swait.ge [sflag:s3], $0x10000  }
0x7e: {  	[sflag:s3] =	ssyncset.done $0x0  }
0x7f: {  	[sflag:s3] =	ssyncadd.s32 $0xFFFF0000  }
0x80: {  	[tilespmem:s2], [sflag:$0x2] =	stream.linear.gather [hbm4b:s15+s2], $0x200, $0x38;
	[tilespmem:$0x10200] =	vst v63  }
0x81: {  	_ =	swait.ge [sflag:s3], $0x200  }
0x82: {  	[sflag:s3] =	ssyncset.done $0x0  }
0x83: {  	[sflag:s3] =	ssyncadd.s32 $0xFFFFFE00  }
0x84: {  	[tilespmem:s6], [sflag:$0x1] =	stream.indirect.gather [hbm4b:s5+s6], $0x80, s2, s6, $0xb8;
	[tilespmem:$0x10200] =	vst v63  }
0x85: {  	_ =	swait.ge [sflag:s7], $0x10000  }
0x86: {  	[sflag:s7] =	ssyncset.done $0x0  }
0x87: {  	[sflag:s7] =	ssyncadd.s32 $0xFFFF0000  }
0x88: {  	[hbm4b:s16+s2] =	stream.linear.scatter [tilespmem:s6], [sflag:$0x2], $0x10000, $0x38;
	[tilespmem:$0x10200] =	vst v63  }
0x89: {  	_ =	swait.ge [sflag:s3], $0x10000  }
0x8a: {  	[sflag:s3] =	ssyncset.done $0x0  }
0x8b: {  	[sflag:s3] =	ssyncadd.s32 $0xFFFF0000  }
0x8c: {  	[tilespmem:s2], [sflag:$0x2] =	stream.linear.gather [hbm4b:s17+s2], $0x200, $0x38;
	[tilespmem:$0x10200] =	vst v63  }
0x8d: {  	_ =	swait.ge [sflag:s3], $0x200  }
0x8e: {  	[sflag:s3] =	ssyncset.done $0x0  }
0x8f: {  	[sflag:s3] =	ssyncadd.s32 $0xFFFFFE00  }
0x90: {  	[tilespmem:s6], [sflag:$0x1] =	stream.indirect.gather [hbm4b:s5+s6], $0x80, s2, s6, $0xb8;
	[tilespmem:$0x10200] =	vst v63  }
0x91: {  	_ =	swait.ge [sflag:s7], $0x10000  }
.Ltmp1:
0x92: {  	[sflag:s7] =	ssyncset.done $0x0;
	(pc) =	sbr.rel @p0 .LBB2_1-.Ltmp1, $4  }
0x93: {  	[sflag:s7] =	ssyncadd.s32 $0xFFFF0000  }
0x94: {  	[hbm4b:s18+s2] =	stream.linear.scatter [tilespmem:s6], [sflag:$0x2], $0x10000, $0x38;
	[tilespmem:$0x10200] =	vst v63  }
0x95: {  	_ =	swait.ge [sflag:s3], $0x10000  }
0x96: {  	[sflag:s3] =	ssyncset.done $0x0  }
.LBB2_2:
0x97: {  	[sflag:s3] =	ssyncadd.s32 $0xFFFF0000  }
0x98: {  	_ =	sfence.sel $0x180000  }
0x99: {  	[bflag:$0x0] =	sbarrier.arrive $0xFFFF  }
0x9a: {  	p0 =	sne.s32 s0, $0x0;
	_ =	strace $0x90000047  }
0x9b: {  	s0 =	sadd.s32 @!p0 $0x100000, s1;
	[bflag:$0x2] =	sbarrier.arrive $0xFFFF  }
0x9c: {  	[sflag:s0] =	ssyncadd.tile.s32 @!p0 $0x1;
	_ =	shalt  }
.Lfunc_end2:
_tile_overlayer_lowered:
.L_overlay_start_2:
0x9d: {  	(tag) =	ssettag $0x2  }
0x9e: {  	s0 =	rddreg [dreg:$0x0];
	s2 =	stileid.u32  }
0x9f: {  	s1 =	rddreg [dreg:$0x1];
	p0 =	sne.s32 s2, $0x0  }
0xa0: {  	s3 =	rddreg [dreg:$0x2];
	[bflag:$0x3] =	sbarrier.arrive $0xFFFF;
	s2 =	simm.s32 @!p0 $0x1C02  }
0xa1: {  	[timem:s3], [sflag:s2] =	dma.local @!p0 [hbm:s0], s1  }
0xa2: {  	s0 =	simm.s32 @!p0 $0x2  }
0xa3: {  	_ =	swait.ge @!p0 [sflag:s0], s1  }
0xa4: {  	s1 =	ssub.s32 @!p0 $0x0, s1;
	[sflag:s0] =	ssyncset.done @!p0 $0x0  }
0xa5: {  	[sflag:s0] =	ssyncadd.s32 @!p0 s1  }
0xa6: {  	[bflag:$0x3] =	sbarrier.arrive $0xFFFF  }
0xa7: {  	_ =	shalt  }

</sc_bundles>
